<compile_context>
chip_gen: v7x
topology: tpu7x:2x2x1
jax: 0.10.2.dev20260603
libtpu: 0.0.44.dev20260713+nightly
codegen_flags: <defaults>
</compile_context>

<pallas_src>
import functools

import jax
import jax.numpy as jnp
from jax import lax
from jax.experimental import pallas as pl
from jax.experimental.pallas import tpu as pltpu
from jax.experimental.pallas import tpu_sc as plsc

_DIM = 64
_B = 16384
_L = 200
_NC = 2
_NS = 16
_NW = _NC * _NS
_RPW = _B // _NW
_HALF = _RPW // 2
_CHUNK = _L // 2


def _make_kernel():
  mesh = plsc.VectorSubcoreMesh(core_axis_name="c", subcore_axis_name="s")

  @functools.partial(
      pl.kernel,
      mesh=mesh,
      compiler_params=pltpu.CompilerParams(use_tc_tiling_on_sc=False),
      out_type=jax.ShapeDtypeStruct((_B, _DIM), jnp.float32),
      scratch_types=[
          pltpu.VMEM((2 * _HALF, _CHUNK), jnp.int32),
          pltpu.VMEM((_L, _DIM), jnp.float32),
          pltpu.VMEM((_L, _DIM), jnp.float32),
          pltpu.VMEM((_HALF, _DIM), jnp.float32),
          pltpu.SemaphoreType.DMA,
          pltpu.SemaphoreType.DMA,
      ],
  )
  def k(x_hbm, table_hbm, out_hbm, idx_v, rows0, rows1, out_v, sem0, sem1):
    wid = lax.axis_index("s") * _NC + lax.axis_index("c")
    base = wid * _RPW
    bufs = (rows0, rows1)
    sems = (sem0, sem1)

    def fire(b, buf, sem):
      pltpu.make_async_copy(
          table_hbm.at[idx_v.at[2 * b]],
          buf.at[pl.ds(0, _CHUNK)], sem).start()
      pltpu.make_async_copy(
          table_hbm.at[idx_v.at[2 * b + 1]],
          buf.at[pl.ds(_CHUNK, _CHUNK)], sem).start()

    def drain(b, buf, sem):
      pltpu.make_async_copy(
          table_hbm.at[idx_v.at[2 * b]],
          buf.at[pl.ds(0, _CHUNK)], sem).wait()
      pltpu.make_async_copy(
          table_hbm.at[idx_v.at[2 * b + 1]],
          buf.at[pl.ds(_CHUNK, _CHUNK)], sem).wait()

    for h in range(2):
      row0 = base + h * _HALF
      pltpu.sync_copy(x_hbm.at[pl.ds(2 * row0, 2 * _HALF), :], idx_v)
      fire(0, bufs[0], sems[0])

      def outer(i, _):
        for kk in range(2):
          b = 2 * i + kk
          buf = bufs[kk]
          nxt = b + 1

          @pl.when(nxt < _HALF)
          def _():
            fire(nxt, bufs[1 - kk], sems[1 - kk])

          drain(b, buf, sems[kk])

          def jbody(j, accs):
            return tuple(
                accs[d] + buf[j, pl.ds(16 * d, 16)] for d in range(4))

          z = jnp.zeros((16,), jnp.float32)
          accs = lax.fori_loop(0, _L, jbody, (z, z, z, z))
          scale = jnp.float32(1.0 / _L)
          for d in range(4):
            out_v[b, pl.ds(16 * d, 16)] = accs[d] * scale
        return 0

      lax.fori_loop(0, _HALF // 2, outer, 0)
      pltpu.sync_copy(out_v, out_hbm.at[pl.ds(row0, _HALF), :])

  return k


_sc_kernel = _make_kernel()


def kernel(x, table):
  x2 = x.astype(jnp.int32).reshape(2 * _B, _CHUNK)
  return _sc_kernel(x2, table)

# --- scband reference (transcript-rebuilt; emitter-appended) ---
"""Pipeline reference for scband-text-encoder-18124761989126 (READ-ONLY COPY).

The authoritative reference and input builder live on the scoring server;
editing this copy changes nothing except your own understanding.
"""

import jax, jax.numpy as jnp
import numpy as np

VOCAB = 1000000
DIM = 64
B = 16384
L = 200

def setup_inputs(seed: int = 0) -> dict:
    key = jax.random.key(seed)
    k1, k2 = jax.random.split(key)
    x = jax.random.randint(k1, (B, L), 0, VOCAB, dtype=jnp.int64) if jax.config.jax_enable_x64 else jax.random.randint(k1, (B, L), 0, VOCAB, dtype=jnp.int32)
    table = jax.random.normal(k2, (VOCAB, DIM), dtype=jnp.float32)
    return {"x": x, "table": table}

def reference(x, table):
    # emb = embedding(x): [B, L, D]
    emb = jnp.take(table, x, axis=0)
    # permute(0, 2, 1) -> [B, D, L]; AdaptiveAvgPool1d(1) -> mean over last axis; squeeze(-1)
    pooled = jnp.mean(emb, axis=1)  # [B, D], equivalent to mean over L after permute
    return pooled

if __name__ == "__main__":
    import jax
    _d = setup_inputs()
    print(jax.jit(kernel)(*tuple(_d.values())))

</pallas_src>

<mosaic_0001>
#map = affine_map<(d0, d1) -> (0, 0)>
module attributes {stable_mosaic.version = 14 : i64} {
  func.func @k(%arg0: i32, %arg1: i32, %arg2: memref<32768x100xi32, #tpu.memory_space<hbm>>, %arg3: memref<1000000x64xf32, #tpu.memory_space<hbm>>, %arg4: memref<16384x64xf32, #tpu.memory_space<hbm>>, %arg5: memref<512x100xi32, #tpu.memory_space<vmem>>, %arg6: memref<200x64xf32, #tpu.memory_space<vmem>>, %arg7: memref<200x64xf32, #tpu.memory_space<vmem>>, %arg8: memref<256x64xf32, #tpu.memory_space<vmem>>, %arg9: memref<!tpu.dma_semaphore, #tpu.memory_space<semaphore_mem>>, %arg10: memref<!tpu.dma_semaphore, #tpu.memory_space<semaphore_mem>>) attributes {dimension_semantics = [#tpu.dimension_semantics<core_parallel>, #tpu.dimension_semantics<subcore_parallel>], iteration_bounds = array<i64: 2, 16>, scalar_prefetch = 0 : i64, scratch_operands = 6 : i64, tpu.core_type = #tpu.core_type<sc_vector_subcore>, window_params = [{transform_indices = #map}, {transform_indices = #map}, {transform_indices = #map}]} {
    %mul3A = arith.constant 2 : i32
    %mul3A_0 = arith.muli %arg1, %mul3A : i32
    %add3A = arith.addi %mul3A_0, %arg0 : i32
    %mul3A_1 = arith.constant 512 : i32
    %mul3A_2 = arith.muli %add3A, %mul3A_1 : i32
    %add3A_3 = arith.constant 0 : i32
    %add3A_4 = arith.addi %mul3A_2, %add3A_3 : i32
    %mul3A_5 = arith.constant 2 : i32
    %mul3A_6 = arith.muli %mul3A_5, %add3A_4 : i32
    "tpu.region"() ({
      %run_scoped3A = tpu.sem_alloc : memref<!tpu.dma_semaphore, #tpu.memory_space<semaphore_mem>>
      %dma_start3A_63 = arith.constant 0 : i32
      %dma_start3A_64 = tpu.memref_slice %arg2[%mul3A_6, %dma_start3A_63] : memref<32768x100xi32, #tpu.memory_space<hbm>> -> memref<512x100xi32, #tpu.memory_space<hbm>>
      %dma_start3A_65 = arith.constant 0 : i32
      %dma_start3A_66 = tpu.memref_slice %arg2[%mul3A_6, %dma_start3A_65] : memref<32768x100xi32, #tpu.memory_space<hbm>> -> memref<512x100xi32, #tpu.memory_space<hbm>>
      tpu.enqueue_dma source(%dma_start3A_66 : memref<512x100xi32, #tpu.memory_space<hbm>>) target(%arg5 : memref<512x100xi32, #tpu.memory_space<vmem>>) target_semaphore(%run_scoped3A : memref<!tpu.dma_semaphore, #tpu.memory_space<semaphore_mem>>)
      %dma_wait3A = arith.constant 0 : i32
      %dma_wait3A_67 = tpu.memref_slice %arg2[%mul3A_6, %dma_wait3A] : memref<32768x100xi32, #tpu.memory_space<hbm>> -> memref<512x100xi32, #tpu.memory_space<hbm>>
      %dma_wait3A_68 = arith.constant 0 : i32
      %dma_wait3A_69 = tpu.memref_slice %arg2[%mul3A_6, %dma_wait3A_68] : memref<32768x100xi32, #tpu.memory_space<hbm>> -> memref<512x100xi32, #tpu.memory_space<hbm>>
      tpu.wait_dma2 semaphore(%run_scoped3A : memref<!tpu.dma_semaphore, #tpu.memory_space<semaphore_mem>>) src(%dma_wait3A_69 : memref<512x100xi32, #tpu.memory_space<hbm>>) dst(%arg5 : memref<512x100xi32, #tpu.memory_space<vmem>>)
      tpu.yield
    }) : () -> ()
    %dma_start3A = arith.constant 0 : i32
    %dma_start3A_7 = arith.constant 0 : i32
    %dma_start3A_8 = arith.constant 0 : i32
    %dma_start3A_9 = tpu.memref_slice %arg6[%dma_start3A_7, %dma_start3A_8] : memref<200x64xf32, #tpu.memory_space<vmem>> -> memref<100x64xf32, #tpu.memory_space<vmem>>
    %dma_start3A_10 = arith.constant 0 : i32
    %dma_start3A_11 = tpu.memref_slice %arg5[%dma_start3A, %dma_start3A_10] : memref<512x100xi32, #tpu.memory_space<vmem>> -> memref<1x100xi32, #tpu.memory_space<vmem>>
    %dma_start3A_12 = tpu.memref_squeeze %dma_start3A_11 : memref<1x100xi32, #tpu.memory_space<vmem>> -> memref<100xi32, #tpu.memory_space<vmem>>
    %dma_start3A_13 = arith.constant 0 : i32
    %dma_start3A_14 = arith.constant 0 : i32
    %dma_start3A_15 = tpu.memref_slice %arg3[%dma_start3A_13, %dma_start3A_14] : memref<1000000x64xf32, #tpu.memory_space<hbm>> -> memref<1000000x64xf32, #tpu.memory_space<hbm>>
    tpu.enqueue_indirect_dma source(%dma_start3A_15 : memref<1000000x64xf32, #tpu.memory_space<hbm>>) target(%dma_start3A_9 : memref<100x64xf32, #tpu.memory_space<vmem>>) offsets(%dma_start3A_12 : memref<100xi32, #tpu.memory_space<vmem>>) semaphore(%arg9 : memref<!tpu.dma_semaphore, #tpu.memory_space<semaphore_mem>>)
    %dma_start3A_16 = arith.constant 1 : i32
    %dma_start3A_17 = arith.constant 100 : i32
    %dma_start3A_18 = arith.constant 0 : i32
    %dma_start3A_19 = tpu.memref_slice %arg6[%dma_start3A_17, %dma_start3A_18] : memref<200x64xf32, #tpu.memory_space<vmem>> -> memref<100x64xf32, #tpu.memory_space<vmem>>
    %dma_start3A_20 = arith.constant 0 : i32
    %dma_start3A_21 = tpu.memref_slice %arg5[%dma_start3A_16, %dma_start3A_20] : memref<512x100xi32, #tpu.memory_space<vmem>> -> memref<1x100xi32, #tpu.memory_space<vmem>>
    %dma_start3A_22 = tpu.memref_squeeze %dma_start3A_21 : memref<1x100xi32, #tpu.memory_space<vmem>> -> memref<100xi32, #tpu.memory_space<vmem>>
    %dma_start3A_23 = arith.constant 0 : i32
    %dma_start3A_24 = arith.constant 0 : i32
    %dma_start3A_25 = tpu.memref_slice %arg3[%dma_start3A_23, %dma_start3A_24] : memref<1000000x64xf32, #tpu.memory_space<hbm>> -> memref<1000000x64xf32, #tpu.memory_space<hbm>>
    tpu.enqueue_indirect_dma source(%dma_start3A_25 : memref<1000000x64xf32, #tpu.memory_space<hbm>>) target(%dma_start3A_19 : memref<100x64xf32, #tpu.memory_space<vmem>>) offsets(%dma_start3A_22 : memref<100xi32, #tpu.memory_space<vmem>>) semaphore(%arg9 : memref<!tpu.dma_semaphore, #tpu.memory_space<semaphore_mem>>)
    %scan3A = arith.constant 0 : i32
    %scan3A_26 = arith.constant 0 : i32
    %scan3A_27 = arith.constant 128 : i32
    %scan3A_28 = arith.addi %scan3A_26, %scan3A_27 : i32
    %scan3A_29 = arith.constant 1 : i32
    %scan3A_30 = scf.for %scan3A_63 = %scan3A_26 to %scan3A_28 step %scan3A_29 iter_args(%scan3A_64 = %scan3A) -> (i32)  : i32 {
      %mul3A_65 = arith.constant 2 : i32
      %mul3A_66 = arith.muli %mul3A_65, %scan3A_63 : i32
      %add3A_67 = arith.constant 0 : i32
      %add3A_68 = arith.addi %mul3A_66, %add3A_67 : i32
      %add3A_69 = arith.constant 1 : i32
      %add3A_70 = arith.addi %add3A_68, %add3A_69 : i32
      %lt3A = arith.constant 256 : i32
      %lt3A_71 = arith.cmpi slt, %add3A_70, %lt3A : i32
      %convert_element_type3A = arith.extui %lt3A_71 : i1 to i32
      %cond3A = arith.constant 0 : i32
      %cond3A_72 = arith.cmpi ne, %convert_element_type3A, %cond3A : i32
      scf.if %cond3A_72 {
        %mul3A_210 = arith.constant 2 : i32
        %mul3A_211 = arith.muli %mul3A_210, %add3A_70 : i32
        %dma_start3A_212 = arith.constant 0 : i32
        %dma_start3A_213 = arith.constant 0 : i32
        %dma_start3A_214 = tpu.memref_slice %arg7[%dma_start3A_212, %dma_start3A_213] : memref<200x64xf32, #tpu.memory_space<vmem>> -> memref<100x64xf32, #tpu.memory_space<vmem>>
        %dma_start3A_215 = arith.constant 0 : i32
        %dma_start3A_216 = tpu.memref_slice %arg5[%mul3A_211, %dma_start3A_215] : memref<512x100xi32, #tpu.memory_space<vmem>> -> memref<1x100xi32, #tpu.memory_space<vmem>>
        %dma_start3A_217 = tpu.memref_squeeze %dma_start3A_216 : memref<1x100xi32, #tpu.memory_space<vmem>> -> memref<100xi32, #tpu.memory_space<vmem>>
        %dma_start3A_218 = arith.constant 0 : i32
        %dma_start3A_219 = arith.constant 0 : i32
        %dma_start3A_220 = tpu.memref_slice %arg3[%dma_start3A_218, %dma_start3A_219] : memref<1000000x64xf32, #tpu.memory_space<hbm>> -> memref<1000000x64xf32, #tpu.memory_space<hbm>>
        tpu.enqueue_indirect_dma source(%dma_start3A_220 : memref<1000000x64xf32, #tpu.memory_space<hbm>>) target(%dma_start3A_214 : memref<100x64xf32, #tpu.memory_space<vmem>>) offsets(%dma_start3A_217 : memref<100xi32, #tpu.memory_space<vmem>>) semaphore(%arg10 : memref<!tpu.dma_semaphore, #tpu.memory_space<semaphore_mem>>)
        %mul3A_221 = arith.constant 2 : i32
        %mul3A_222 = arith.muli %mul3A_221, %add3A_70 : i32
        %add3A_223 = arith.constant 1 : i32
        %add3A_224 = arith.addi %mul3A_222, %add3A_223 : i32
        %dma_start3A_225 = arith.constant 100 : i32
        %dma_start3A_226 = arith.constant 0 : i32
        %dma_start3A_227 = tpu.memref_slice %arg7[%dma_start3A_225, %dma_start3A_226] : memref<200x64xf32, #tpu.memory_space<vmem>> -> memref<100x64xf32, #tpu.memory_space<vmem>>
        %dma_start3A_228 = arith.constant 0 : i32
        %dma_start3A_229 = tpu.memref_slice %arg5[%add3A_224, %dma_start3A_228] : memref<512x100xi32, #tpu.memory_space<vmem>> -> memref<1x100xi32, #tpu.memory_space<vmem>>
        %dma_start3A_230 = tpu.memref_squeeze %dma_start3A_229 : memref<1x100xi32, #tpu.memory_space<vmem>> -> memref<100xi32, #tpu.memory_space<vmem>>
        %dma_start3A_231 = arith.constant 0 : i32
        %dma_start3A_232 = arith.constant 0 : i32
        %dma_start3A_233 = tpu.memref_slice %arg3[%dma_start3A_231, %dma_start3A_232] : memref<1000000x64xf32, #tpu.memory_space<hbm>> -> memref<1000000x64xf32, #tpu.memory_space<hbm>>
        tpu.enqueue_indirect_dma source(%dma_start3A_233 : memref<1000000x64xf32, #tpu.memory_space<hbm>>) target(%dma_start3A_227 : memref<100x64xf32, #tpu.memory_space<vmem>>) offsets(%dma_start3A_230 : memref<100xi32, #tpu.memory_space<vmem>>) semaphore(%arg10 : memref<!tpu.dma_semaphore, #tpu.memory_space<semaphore_mem>>)
      } else {
      }
      %mul3A_73 = arith.constant 2 : i32
      %mul3A_74 = arith.muli %mul3A_73, %add3A_68 : i32
      %dma_wait3A = arith.constant 0 : i32
      %dma_wait3A_75 = arith.constant 0 : i32
      %dma_wait3A_76 = tpu.memref_slice %arg6[%dma_wait3A, %dma_wait3A_75] : memref<200x64xf32, #tpu.memory_space<vmem>> -> memref<100x64xf32, #tpu.memory_space<vmem>>
      %dma_wait3A_77 = arith.constant 0 : i32
      %dma_wait3A_78 = tpu.memref_slice %arg5[%mul3A_74, %dma_wait3A_77] : memref<512x100xi32, #tpu.memory_space<vmem>> -> memref<1x100xi32, #tpu.memory_space<vmem>>
      %dma_wait3A_79 = tpu.memref_squeeze %dma_wait3A_78 : memref<1x100xi32, #tpu.memory_space<vmem>> -> memref<100xi32, #tpu.memory_space<vmem>>
      %dma_wait3A_80 = arith.constant 0 : i32
      %dma_wait3A_81 = arith.constant 0 : i32
      %dma_wait3A_82 = tpu.memref_slice %arg3[%dma_wait3A_80, %dma_wait3A_81] : memref<1000000x64xf32, #tpu.memory_space<hbm>> -> memref<1000000x64xf32, #tpu.memory_space<hbm>>
      tpu.wait_indirect_dma semaphore(%arg9 : memref<!tpu.dma_semaphore, #tpu.memory_space<semaphore_mem>>) src(%dma_wait3A_82 : memref<1000000x64xf32, #tpu.memory_space<hbm>>) dst(%dma_wait3A_76 : memref<100x64xf32, #tpu.memory_space<vmem>>)
      %mul3A_83 = arith.constant 2 : i32
      %mul3A_84 = arith.muli %mul3A_83, %add3A_68 : i32
      %add3A_85 = arith.constant 1 : i32
      %add3A_86 = arith.addi %mul3A_84, %add3A_85 : i32
      %dma_wait3A_87 = arith.constant 100 : i32
      %dma_wait3A_88 = arith.constant 0 : i32
      %dma_wait3A_89 = tpu.memref_slice %arg6[%dma_wait3A_87, %dma_wait3A_88] : memref<200x64xf32, #tpu.memory_space<vmem>> -> memref<100x64xf32, #tpu.memory_space<vmem>>
      %dma_wait3A_90 = arith.constant 0 : i32
      %dma_wait3A_91 = tpu.memref_slice %arg5[%add3A_86, %dma_wait3A_90] : memref<512x100xi32, #tpu.memory_space<vmem>> -> memref<1x100xi32, #tpu.memory_space<vmem>>
      %dma_wait3A_92 = tpu.memref_squeeze %dma_wait3A_91 : memref<1x100xi32, #tpu.memory_space<vmem>> -> memref<100xi32, #tpu.memory_space<vmem>>
      %dma_wait3A_93 = arith.constant 0 : i32
      %dma_wait3A_94 = arith.constant 0 : i32
      %dma_wait3A_95 = tpu.memref_slice %arg3[%dma_wait3A_93, %dma_wait3A_94] : memref<1000000x64xf32, #tpu.memory_space<hbm>> -> memref<1000000x64xf32, #tpu.memory_space<hbm>>
      tpu.wait_indirect_dma semaphore(%arg9 : memref<!tpu.dma_semaphore, #tpu.memory_space<semaphore_mem>>) src(%dma_wait3A_95 : memref<1000000x64xf32, #tpu.memory_space<hbm>>) dst(%dma_wait3A_89 : memref<100x64xf32, #tpu.memory_space<vmem>>)
      %broadcast_in_dim3A = arith.constant 0.000000e+00 : f32
      %broadcast_in_dim3A_96 = vector.broadcast %broadcast_in_dim3A : f32 to vector<16xf32>
      %scan3A_97 = arith.constant 0 : i32
      %scan3A_98 = arith.constant 200 : i32
      %scan3A_99 = arith.addi %scan3A_97, %scan3A_98 : i32
      %scan3A_100 = arith.constant 1 : i32
      %scan3A_101:4 = scf.for %scan3A_210 = %scan3A_97 to %scan3A_99 step %scan3A_100 iter_args(%scan3A_211 = %broadcast_in_dim3A_96, %scan3A_212 = %broadcast_in_dim3A_96, %scan3A_213 = %broadcast_in_dim3A_96, %scan3A_214 = %broadcast_in_dim3A_96) -> (vector<16xf32>, vector<16xf32>, vector<16xf32>, vector<16xf32>)  : i32 {
        %get3A = arith.index_cast %scan3A_210 : i32 to index
        %get3A_215 = arith.constant 0 : index
        %get3A_216 = tpu.vector_load %arg6[%get3A, %get3A_215] {strides = array<i32>} : memref<200x64xf32, #tpu.memory_space<vmem>>, vector<1x16xf32>,
        %get3A_217 = vector.shape_cast %get3A_216 : vector<1x16xf32> to vector<16xf32>
        %add3A_218 = arith.addf %scan3A_211, %get3A_217 : vector<16xf32>
        %get3A_219 = arith.index_cast %scan3A_210 : i32 to index
        %get3A_220 = arith.constant 16 : index
        %get3A_221 = tpu.vector_load %arg6[%get3A_219, %get3A_220] {strides = array<i32>} : memref<200x64xf32, #tpu.memory_space<vmem>>, vector<1x16xf32>,
        %get3A_222 = vector.shape_cast %get3A_221 : vector<1x16xf32> to vector<16xf32>
        %add3A_223 = arith.addf %scan3A_212, %get3A_222 : vector<16xf32>
        %get3A_224 = arith.index_cast %scan3A_210 : i32 to index
        %get3A_225 = arith.constant 32 : index
        %get3A_226 = tpu.vector_load %arg6[%get3A_224, %get3A_225] {strides = array<i32>} : memref<200x64xf32, #tpu.memory_space<vmem>>, vector<1x16xf32>,
        %get3A_227 = vector.shape_cast %get3A_226 : vector<1x16xf32> to vector<16xf32>
        %add3A_228 = arith.addf %scan3A_213, %get3A_227 : vector<16xf32>
        %get3A_229 = arith.index_cast %scan3A_210 : i32 to index
        %get3A_230 = arith.constant 48 : index
        %get3A_231 = tpu.vector_load %arg6[%get3A_229, %get3A_230] {strides = array<i32>} : memref<200x64xf32, #tpu.memory_space<vmem>>, vector<1x16xf32>,
        %get3A_232 = vector.shape_cast %get3A_231 : vector<1x16xf32> to vector<16xf32>
        %add3A_233 = arith.addf %scan3A_214, %get3A_232 : vector<16xf32>
        scf.yield %add3A_218, %add3A_223, %add3A_228, %add3A_233 : vector<16xf32>, vector<16xf32>, vector<16xf32>, vector<16xf32>
      }
      %scan3A_102 = arith.constant 200 : i32
      %mul3A_103 = arith.constant 5.000000e-03 : f32
      %mul3A_104 = vector.broadcast %mul3A_103 : f32 to vector<16xf32>
      %mul3A_105 = arith.mulf %scan3A_101#0, %mul3A_104 : vector<16xf32>
      %swap3A = arith.index_cast %add3A_68 : i32 to index
      %swap3A_106 = arith.constant 0 : index
      %swap3A_107 = tpu.vector_load %arg8[%swap3A, %swap3A_106] {strides = array<i32>} : memref<256x64xf32, #tpu.memory_space<vmem>>, vector<1x16xf32>,
      %swap3A_108 = vector.shape_cast %swap3A_107 : vector<1x16xf32> to vector<16xf32>
      %swap3A_109 = vector.shape_cast %mul3A_105 : vector<16xf32> to vector<1x16xf32>
      tpu.vector_store %arg8[%swap3A, %swap3A_106], %swap3A_109 {strides = array<i32>} : memref<256x64xf32, #tpu.memory_space<vmem>>, vector<1x16xf32>,
      %mul3A_110 = arith.constant 5.000000e-03 : f32
      %mul3A_111 = vector.broadcast %mul3A_110 : f32 to vector<16xf32>
      %mul3A_112 = arith.mulf %scan3A_101#1, %mul3A_111 : vector<16xf32>
      %swap3A_113 = arith.index_cast %add3A_68 : i32 to index
      %swap3A_114 = arith.constant 16 : index
      %swap3A_115 = tpu.vector_load %arg8[%swap3A_113, %swap3A_114] {strides = array<i32>} : memref<256x64xf32, #tpu.memory_space<vmem>>, vector<1x16xf32>,
      %swap3A_116 = vector.shape_cast %swap3A_115 : vector<1x16xf32> to vector<16xf32>
      %swap3A_117 = vector.shape_cast %mul3A_112 : vector<16xf32> to vector<1x16xf32>
      tpu.vector_store %arg8[%swap3A_113, %swap3A_114], %swap3A_117 {strides = array<i32>} : memref<256x64xf32, #tpu.memory_space<vmem>>, vector<1x16xf32>,
      %mul3A_118 = arith.constant 5.000000e-03 : f32
      %mul3A_119 = vector.broadcast %mul3A_118 : f32 to vector<16xf32>
      %mul3A_120 = arith.mulf %scan3A_101#2, %mul3A_119 : vector<16xf32>
      %swap3A_121 = arith.index_cast %add3A_68 : i32 to index
      %swap3A_122 = arith.constant 32 : index
      %swap3A_123 = tpu.vector_load %arg8[%swap3A_121, %swap3A_122] {strides = array<i32>} : memref<256x64xf32, #tpu.memory_space<vmem>>, vector<1x16xf32>,
      %swap3A_124 = vector.shape_cast %swap3A_123 : vector<1x16xf32> to vector<16xf32>
      %swap3A_125 = vector.shape_cast %mul3A_120 : vector<16xf32> to vector<1x16xf32>
      tpu.vector_store %arg8[%swap3A_121, %swap3A_122], %swap3A_125 {strides = array<i32>} : memref<256x64xf32, #tpu.memory_space<vmem>>, vector<1x16xf32>,
      %mul3A_126 = arith.constant 5.000000e-03 : f32
      %mul3A_127 = vector.broadcast %mul3A_126 : f32 to vector<16xf32>
      %mul3A_128 = arith.mulf %scan3A_101#3, %mul3A_127 : vector<16xf32>
      %swap3A_129 = arith.index_cast %add3A_68 : i32 to index
      %swap3A_130 = arith.constant 48 : index
      %swap3A_131 = tpu.vector_load %arg8[%swap3A_129, %swap3A_130] {strides = array<i32>} : memref<256x64xf32, #tpu.memory_space<vmem>>, vector<1x16xf32>,
      %swap3A_132 = vector.shape_cast %swap3A_131 : vector<1x16xf32> to vector<16xf32>
      %swap3A_133 = vector.shape_cast %mul3A_128 : vector<16xf32> to vector<1x16xf32>
      tpu.vector_store %arg8[%swap3A_129, %swap3A_130], %swap3A_133 {strides = array<i32>} : memref<256x64xf32, #tpu.memory_space<vmem>>, vector<1x16xf32>,
      %mul3A_134 = arith.constant 2 : i32
      %mul3A_135 = arith.muli %mul3A_134, %scan3A_63 : i32
      %add3A_136 = arith.constant 1 : i32
      %add3A_137 = arith.addi %mul3A_135, %add3A_136 : i32
      %add3A_138 = arith.constant 1 : i32
      %add3A_139 = arith.addi %add3A_137, %add3A_138 : i32
      %lt3A_140 = arith.constant 256 : i32
      %lt3A_141 = arith.cmpi slt, %add3A_139, %lt3A_140 : i32
      %convert_element_type3A_142 = arith.extui %lt3A_141 : i1 to i32
      %cond3A_143 = arith.constant 0 : i32
      %cond3A_144 = arith.cmpi ne, %convert_element_type3A_142, %cond3A_143 : i32
      scf.if %cond3A_144 {
        %mul3A_210 = arith.constant 2 : i32
        %mul3A_211 = arith.muli %mul3A_210, %add3A_139 : i32
        %dma_start3A_212 = arith.constant 0 : i32
        %dma_start3A_213 = arith.constant 0 : i32
        %dma_start3A_214 = tpu.memref_slice %arg6[%dma_start3A_212, %dma_start3A_213] : memref<200x64xf32, #tpu.memory_space<vmem>> -> memref<100x64xf32, #tpu.memory_space<vmem>>
        %dma_start3A_215 = arith.constant 0 : i32
        %dma_start3A_216 = tpu.memref_slice %arg5[%mul3A_211, %dma_start3A_215] : memref<512x100xi32, #tpu.memory_space<vmem>> -> memref<1x100xi32, #tpu.memory_space<vmem>>
        %dma_start3A_217 = tpu.memref_squeeze %dma_start3A_216 : memref<1x100xi32, #tpu.memory_space<vmem>> -> memref<100xi32, #tpu.memory_space<vmem>>
        %dma_start3A_218 = arith.constant 0 : i32
        %dma_start3A_219 = arith.constant 0 : i32
        %dma_start3A_220 = tpu.memref_slice %arg3[%dma_start3A_218, %dma_start3A_219] : memref<1000000x64xf32, #tpu.memory_space<hbm>> -> memref<1000000x64xf32, #tpu.memory_space<hbm>>
        tpu.enqueue_indirect_dma source(%dma_start3A_220 : memref<1000000x64xf32, #tpu.memory_space<hbm>>) target(%dma_start3A_214 : memref<100x64xf32, #tpu.memory_space<vmem>>) offsets(%dma_start3A_217 : memref<100xi32, #tpu.memory_space<vmem>>) semaphore(%arg9 : memref<!tpu.dma_semaphore, #tpu.memory_space<semaphore_mem>>)
        %mul3A_221 = arith.constant 2 : i32
        %mul3A_222 = arith.muli %mul3A_221, %add3A_139 : i32
        %add3A_223 = arith.constant 1 : i32
        %add3A_224 = arith.addi %mul3A_222, %add3A_223 : i32
        %dma_start3A_225 = arith.constant 100 : i32
        %dma_start3A_226 = arith.constant 0 : i32
        %dma_start3A_227 = tpu.memref_slice %arg6[%dma_start3A_225, %dma_start3A_226] : memref<200x64xf32, #tpu.memory_space<vmem>> -> memref<100x64xf32, #tpu.memory_space<vmem>>
        %dma_start3A_228 = arith.constant 0 : i32
        %dma_start3A_229 = tpu.memref_slice %arg5[%add3A_224, %dma_start3A_228] : memref<512x100xi32, #tpu.memory_space<vmem>> -> memref<1x100xi32, #tpu.memory_space<vmem>>
        %dma_start3A_230 = tpu.memref_squeeze %dma_start3A_229 : memref<1x100xi32, #tpu.memory_space<vmem>> -> memref<100xi32, #tpu.memory_space<vmem>>
        %dma_start3A_231 = arith.constant 0 : i32
        %dma_start3A_232 = arith.constant 0 : i32
        %dma_start3A_233 = tpu.memref_slice %arg3[%dma_start3A_231, %dma_start3A_232] : memref<1000000x64xf32, #tpu.memory_space<hbm>> -> memref<1000000x64xf32, #tpu.memory_space<hbm>>
        tpu.enqueue_indirect_dma source(%dma_start3A_233 : memref<1000000x64xf32, #tpu.memory_space<hbm>>) target(%dma_start3A_227 : memref<100x64xf32, #tpu.memory_space<vmem>>) offsets(%dma_start3A_230 : memref<100xi32, #tpu.memory_space<vmem>>) semaphore(%arg9 : memref<!tpu.dma_semaphore, #tpu.memory_space<semaphore_mem>>)
      } else {
      }
      %mul3A_145 = arith.constant 2 : i32
      %mul3A_146 = arith.muli %mul3A_145, %add3A_137 : i32
      %dma_wait3A_147 = arith.constant 0 : i32
      %dma_wait3A_148 = arith.constant 0 : i32
      %dma_wait3A_149 = tpu.memref_slice %arg7[%dma_wait3A_147, %dma_wait3A_148] : memref<200x64xf32, #tpu.memory_space<vmem>> -> memref<100x64xf32, #tpu.memory_space<vmem>>
      %dma_wait3A_150 = arith.constant 0 : i32
      %dma_wait3A_151 = tpu.memref_slice %arg5[%mul3A_146, %dma_wait3A_150] : memref<512x100xi32, #tpu.memory_space<vmem>> -> memref<1x100xi32, #tpu.memory_space<vmem>>
      %dma_wait3A_152 = tpu.memref_squeeze %dma_wait3A_151 : memref<1x100xi32, #tpu.memory_space<vmem>> -> memref<100xi32, #tpu.memory_space<vmem>>
      %dma_wait3A_153 = arith.constant 0 : i32
      %dma_wait3A_154 = arith.constant 0 : i32
      %dma_wait3A_155 = tpu.memref_slice %arg3[%dma_wait3A_153, %dma_wait3A_154] : memref<1000000x64xf32, #tpu.memory_space<hbm>> -> memref<1000000x64xf32, #tpu.memory_space<hbm>>
      tpu.wait_indirect_dma semaphore(%arg10 : memref<!tpu.dma_semaphore, #tpu.memory_space<semaphore_mem>>) src(%dma_wait3A_155 : memref<1000000x64xf32, #tpu.memory_space<hbm>>) dst(%dma_wait3A_149 : memref<100x64xf32, #tpu.memory_space<vmem>>)
      %mul3A_156 = arith.constant 2 : i32
      %mul3A_157 = arith.muli %mul3A_156, %add3A_137 : i32
      %add3A_158 = arith.constant 1 : i32
      %add3A_159 = arith.addi %mul3A_157, %add3A_158 : i32
      %dma_wait3A_160 = arith.constant 100 : i32
      %dma_wait3A_161 = arith.constant 0 : i32
      %dma_wait3A_162 = tpu.memref_slice %arg7[%dma_wait3A_160, %dma_wait3A_161] : memref<200x64xf32, #tpu.memory_space<vmem>> -> memref<100x64xf32, #tpu.memory_space<vmem>>
      %dma_wait3A_163 = arith.constant 0 : i32
      %dma_wait3A_164 = tpu.memref_slice %arg5[%add3A_159, %dma_wait3A_163] : memref<512x100xi32, #tpu.memory_space<vmem>> -> memref<1x100xi32, #tpu.memory_space<vmem>>
      %dma_wait3A_165 = tpu.memref_squeeze %dma_wait3A_164 : memref<1x100xi32, #tpu.memory_space<vmem>> -> memref<100xi32, #tpu.memory_space<vmem>>
      %dma_wait3A_166 = arith.constant 0 : i32
      %dma_wait3A_167 = arith.constant 0 : i32
      %dma_wait3A_168 = tpu.memref_slice %arg3[%dma_wait3A_166, %dma_wait3A_167] : memref<1000000x64xf32, #tpu.memory_space<hbm>> -> memref<1000000x64xf32, #tpu.memory_space<hbm>>
      tpu.wait_indirect_dma semaphore(%arg10 : memref<!tpu.dma_semaphore, #tpu.memory_space<semaphore_mem>>) src(%dma_wait3A_168 : memref<1000000x64xf32, #tpu.memory_space<hbm>>) dst(%dma_wait3A_162 : memref<100x64xf32, #tpu.memory_space<vmem>>)
      %broadcast_in_dim3A_169 = arith.constant 0.000000e+00 : f32
      %broadcast_in_dim3A_170 = vector.broadcast %broadcast_in_dim3A_169 : f32 to vector<16xf32>
      %scan3A_171 = arith.constant 0 : i32
      %scan3A_172 = arith.constant 200 : i32
      %scan3A_173 = arith.addi %scan3A_171, %scan3A_172 : i32
      %scan3A_174 = arith.constant 1 : i32
      %scan3A_175:4 = scf.for %scan3A_210 = %scan3A_171 to %scan3A_173 step %scan3A_174 iter_args(%scan3A_211 = %broadcast_in_dim3A_170, %scan3A_212 = %broadcast_in_dim3A_170, %scan3A_213 = %broadcast_in_dim3A_170, %scan3A_214 = %broadcast_in_dim3A_170) -> (vector<16xf32>, vector<16xf32>, vector<16xf32>, vector<16xf32>)  : i32 {
        %get3A = arith.index_cast %scan3A_210 : i32 to index
        %get3A_215 = arith.constant 0 : index
        %get3A_216 = tpu.vector_load %arg7[%get3A, %get3A_215] {strides = array<i32>} : memref<200x64xf32, #tpu.memory_space<vmem>>, vector<1x16xf32>,
        %get3A_217 = vector.shape_cast %get3A_216 : vector<1x16xf32> to vector<16xf32>
        %add3A_218 = arith.addf %scan3A_211, %get3A_217 : vector<16xf32>
        %get3A_219 = arith.index_cast %scan3A_210 : i32 to index
        %get3A_220 = arith.constant 16 : index
        %get3A_221 = tpu.vector_load %arg7[%get3A_219, %get3A_220] {strides = array<i32>} : memref<200x64xf32, #tpu.memory_space<vmem>>, vector<1x16xf32>,
        %get3A_222 = vector.shape_cast %get3A_221 : vector<1x16xf32> to vector<16xf32>
        %add3A_223 = arith.addf %scan3A_212, %get3A_222 : vector<16xf32>
        %get3A_224 = arith.index_cast %scan3A_210 : i32 to index
        %get3A_225 = arith.constant 32 : index
        %get3A_226 = tpu.vector_load %arg7[%get3A_224, %get3A_225] {strides = array<i32>} : memref<200x64xf32, #tpu.memory_space<vmem>>, vector<1x16xf32>,
        %get3A_227 = vector.shape_cast %get3A_226 : vector<1x16xf32> to vector<16xf32>
        %add3A_228 = arith.addf %scan3A_213, %get3A_227 : vector<16xf32>
        %get3A_229 = arith.index_cast %scan3A_210 : i32 to index
        %get3A_230 = arith.constant 48 : index
        %get3A_231 = tpu.vector_load %arg7[%get3A_229, %get3A_230] {strides = array<i32>} : memref<200x64xf32, #tpu.memory_space<vmem>>, vector<1x16xf32>,
        %get3A_232 = vector.shape_cast %get3A_231 : vector<1x16xf32> to vector<16xf32>
        %add3A_233 = arith.addf %scan3A_214, %get3A_232 : vector<16xf32>
        scf.yield %add3A_218, %add3A_223, %add3A_228, %add3A_233 : vector<16xf32>, vector<16xf32>, vector<16xf32>, vector<16xf32>
      }
      %scan3A_176 = arith.constant 200 : i32
      %mul3A_177 = arith.constant 5.000000e-03 : f32
      %mul3A_178 = vector.broadcast %mul3A_177 : f32 to vector<16xf32>
      %mul3A_179 = arith.mulf %scan3A_175#0, %mul3A_178 : vector<16xf32>
      %swap3A_180 = arith.index_cast %add3A_137 : i32 to index
      %swap3A_181 = arith.constant 0 : index
      %swap3A_182 = tpu.vector_load %arg8[%swap3A_180, %swap3A_181] {strides = array<i32>} : memref<256x64xf32, #tpu.memory_space<vmem>>, vector<1x16xf32>,
      %swap3A_183 = vector.shape_cast %swap3A_182 : vector<1x16xf32> to vector<16xf32>
      %swap3A_184 = vector.shape_cast %mul3A_179 : vector<16xf32> to vector<1x16xf32>
      tpu.vector_store %arg8[%swap3A_180, %swap3A_181], %swap3A_184 {strides = array<i32>} : memref<256x64xf32, #tpu.memory_space<vmem>>, vector<1x16xf32>,
      %mul3A_185 = arith.constant 5.000000e-03 : f32
      %mul3A_186 = vector.broadcast %mul3A_185 : f32 to vector<16xf32>
      %mul3A_187 = arith.mulf %scan3A_175#1, %mul3A_186 : vector<16xf32>
      %swap3A_188 = arith.index_cast %add3A_137 : i32 to index
      %swap3A_189 = arith.constant 16 : index
      %swap3A_190 = tpu.vector_load %arg8[%swap3A_188, %swap3A_189] {strides = array<i32>} : memref<256x64xf32, #tpu.memory_space<vmem>>, vector<1x16xf32>,
      %swap3A_191 = vector.shape_cast %swap3A_190 : vector<1x16xf32> to vector<16xf32>
      %swap3A_192 = vector.shape_cast %mul3A_187 : vector<16xf32> to vector<1x16xf32>
      tpu.vector_store %arg8[%swap3A_188, %swap3A_189], %swap3A_192 {strides = array<i32>} : memref<256x64xf32, #tpu.memory_space<vmem>>, vector<1x16xf32>,
      %mul3A_193 = arith.constant 5.000000e-03 : f32
      %mul3A_194 = vector.broadcast %mul3A_193 : f32 to vector<16xf32>
      %mul3A_195 = arith.mulf %scan3A_175#2, %mul3A_194 : vector<16xf32>
      %swap3A_196 = arith.index_cast %add3A_137 : i32 to index
      %swap3A_197 = arith.constant 32 : index
      %swap3A_198 = tpu.vector_load %arg8[%swap3A_196, %swap3A_197] {strides = array<i32>} : memref<256x64xf32, #tpu.memory_space<vmem>>, vector<1x16xf32>,
      %swap3A_199 = vector.shape_cast %swap3A_198 : vector<1x16xf32> to vector<16xf32>
      %swap3A_200 = vector.shape_cast %mul3A_195 : vector<16xf32> to vector<1x16xf32>
      tpu.vector_store %arg8[%swap3A_196, %swap3A_197], %swap3A_200 {strides = array<i32>} : memref<256x64xf32, #tpu.memory_space<vmem>>, vector<1x16xf32>,
      %mul3A_201 = arith.constant 5.000000e-03 : f32
      %mul3A_202 = vector.broadcast %mul3A_201 : f32 to vector<16xf32>
      %mul3A_203 = arith.mulf %scan3A_175#3, %mul3A_202 : vector<16xf32>
      %swap3A_204 = arith.index_cast %add3A_137 : i32 to index
      %swap3A_205 = arith.constant 48 : index
      %swap3A_206 = tpu.vector_load %arg8[%swap3A_204, %swap3A_205] {strides = array<i32>} : memref<256x64xf32, #tpu.memory_space<vmem>>, vector<1x16xf32>,
      %swap3A_207 = vector.shape_cast %swap3A_206 : vector<1x16xf32> to vector<16xf32>
      %swap3A_208 = vector.shape_cast %mul3A_203 : vector<16xf32> to vector<1x16xf32>
      tpu.vector_store %arg8[%swap3A_204, %swap3A_205], %swap3A_208 {strides = array<i32>} : memref<256x64xf32, #tpu.memory_space<vmem>>, vector<1x16xf32>,
      %scan3A_209 = arith.constant 0 : i32
      scf.yield %scan3A_209 : i32
    }
    %scan3A_31 = arith.constant 128 : i32
    "tpu.region"() ({
      %run_scoped3A = tpu.sem_alloc : memref<!tpu.dma_semaphore, #tpu.memory_space<semaphore_mem>>
      %dma_start3A_63 = arith.constant 0 : i32
      %dma_start3A_64 = tpu.memref_slice %arg4[%add3A_4, %dma_start3A_63] : memref<16384x64xf32, #tpu.memory_space<hbm>> -> memref<256x64xf32, #tpu.memory_space<hbm>>
      %dma_start3A_65 = arith.constant 0 : i32
      %dma_start3A_66 = tpu.memref_slice %arg4[%add3A_4, %dma_start3A_65] : memref<16384x64xf32, #tpu.memory_space<hbm>> -> memref<256x64xf32, #tpu.memory_space<hbm>>
      tpu.enqueue_dma source(%arg8 : memref<256x64xf32, #tpu.memory_space<vmem>>) target(%dma_start3A_66 : memref<256x64xf32, #tpu.memory_space<hbm>>) target_semaphore(%run_scoped3A : memref<!tpu.dma_semaphore, #tpu.memory_space<semaphore_mem>>)
      %dma_wait3A = arith.constant 0 : i32
      %dma_wait3A_67 = tpu.memref_slice %arg4[%add3A_4, %dma_wait3A] : memref<16384x64xf32, #tpu.memory_space<hbm>> -> memref<256x64xf32, #tpu.memory_space<hbm>>
      %dma_wait3A_68 = arith.constant 0 : i32
      %dma_wait3A_69 = tpu.memref_slice %arg4[%add3A_4, %dma_wait3A_68] : memref<16384x64xf32, #tpu.memory_space<hbm>> -> memref<256x64xf32, #tpu.memory_space<hbm>>
      tpu.wait_dma2 semaphore(%run_scoped3A : memref<!tpu.dma_semaphore, #tpu.memory_space<semaphore_mem>>) src(%arg8 : memref<256x64xf32, #tpu.memory_space<vmem>>) dst(%dma_wait3A_69 : memref<256x64xf32, #tpu.memory_space<hbm>>)
      tpu.yield
    }) : () -> ()
    %add3A_32 = arith.constant 256 : i32
    %add3A_33 = arith.addi %mul3A_2, %add3A_32 : i32
    %mul3A_34 = arith.constant 2 : i32
    %mul3A_35 = arith.muli %mul3A_34, %add3A_33 : i32
    "tpu.region"() ({
      %run_scoped3A = tpu.sem_alloc : memref<!tpu.dma_semaphore, #tpu.memory_space<semaphore_mem>>
      %dma_start3A_63 = arith.constant 0 : i32
      %dma_start3A_64 = tpu.memref_slice %arg2[%mul3A_35, %dma_start3A_63] : memref<32768x100xi32, #tpu.memory_space<hbm>> -> memref<512x100xi32, #tpu.memory_space<hbm>>
      %dma_start3A_65 = arith.constant 0 : i32
      %dma_start3A_66 = tpu.memref_slice %arg2[%mul3A_35, %dma_start3A_65] : memref<32768x100xi32, #tpu.memory_space<hbm>> -> memref<512x100xi32, #tpu.memory_space<hbm>>
      tpu.enqueue_dma source(%dma_start3A_66 : memref<512x100xi32, #tpu.memory_space<hbm>>) target(%arg5 : memref<512x100xi32, #tpu.memory_space<vmem>>) target_semaphore(%run_scoped3A : memref<!tpu.dma_semaphore, #tpu.memory_space<semaphore_mem>>)
      %dma_wait3A = arith.constant 0 : i32
      %dma_wait3A_67 = tpu.memref_slice %arg2[%mul3A_35, %dma_wait3A] : memref<32768x100xi32, #tpu.memory_space<hbm>> -> memref<512x100xi32, #tpu.memory_space<hbm>>
      %dma_wait3A_68 = arith.constant 0 : i32
      %dma_wait3A_69 = tpu.memref_slice %arg2[%mul3A_35, %dma_wait3A_68] : memref<32768x100xi32, #tpu.memory_space<hbm>> -> memref<512x100xi32, #tpu.memory_space<hbm>>
      tpu.wait_dma2 semaphore(%run_scoped3A : memref<!tpu.dma_semaphore, #tpu.memory_space<semaphore_mem>>) src(%dma_wait3A_69 : memref<512x100xi32, #tpu.memory_space<hbm>>) dst(%arg5 : memref<512x100xi32, #tpu.memory_space<vmem>>)
      tpu.yield
    }) : () -> ()
    %dma_start3A_36 = arith.constant 0 : i32
    %dma_start3A_37 = arith.constant 0 : i32
    %dma_start3A_38 = arith.constant 0 : i32
    %dma_start3A_39 = tpu.memref_slice %arg6[%dma_start3A_37, %dma_start3A_38] : memref<200x64xf32, #tpu.memory_space<vmem>> -> memref<100x64xf32, #tpu.memory_space<vmem>>
    %dma_start3A_40 = arith.constant 0 : i32
    %dma_start3A_41 = tpu.memref_slice %arg5[%dma_start3A_36, %dma_start3A_40] : memref<512x100xi32, #tpu.memory_space<vmem>> -> memref<1x100xi32, #tpu.memory_space<vmem>>
    %dma_start3A_42 = tpu.memref_squeeze %dma_start3A_41 : memref<1x100xi32, #tpu.memory_space<vmem>> -> memref<100xi32, #tpu.memory_space<vmem>>
    %dma_start3A_43 = arith.constant 0 : i32
    %dma_start3A_44 = arith.constant 0 : i32
    %dma_start3A_45 = tpu.memref_slice %arg3[%dma_start3A_43, %dma_start3A_44] : memref<1000000x64xf32, #tpu.memory_space<hbm>> -> memref<1000000x64xf32, #tpu.memory_space<hbm>>
    tpu.enqueue_indirect_dma source(%dma_start3A_45 : memref<1000000x64xf32, #tpu.memory_space<hbm>>) target(%dma_start3A_39 : memref<100x64xf32, #tpu.memory_space<vmem>>) offsets(%dma_start3A_42 : memref<100xi32, #tpu.memory_space<vmem>>) semaphore(%arg9 : memref<!tpu.dma_semaphore, #tpu.memory_space<semaphore_mem>>)
    %dma_start3A_46 = arith.constant 1 : i32
    %dma_start3A_47 = arith.constant 100 : i32
    %dma_start3A_48 = arith.constant 0 : i32
    %dma_start3A_49 = tpu.memref_slice %arg6[%dma_start3A_47, %dma_start3A_48] : memref<200x64xf32, #tpu.memory_space<vmem>> -> memref<100x64xf32, #tpu.memory_space<vmem>>
    %dma_start3A_50 = arith.constant 0 : i32
    %dma_start3A_51 = tpu.memref_slice %arg5[%dma_start3A_46, %dma_start3A_50] : memref<512x100xi32, #tpu.memory_space<vmem>> -> memref<1x100xi32, #tpu.memory_space<vmem>>
    %dma_start3A_52 = tpu.memref_squeeze %dma_start3A_51 : memref<1x100xi32, #tpu.memory_space<vmem>> -> memref<100xi32, #tpu.memory_space<vmem>>
    %dma_start3A_53 = arith.constant 0 : i32
    %dma_start3A_54 = arith.constant 0 : i32
    %dma_start3A_55 = tpu.memref_slice %arg3[%dma_start3A_53, %dma_start3A_54] : memref<1000000x64xf32, #tpu.memory_space<hbm>> -> memref<1000000x64xf32, #tpu.memory_space<hbm>>
    tpu.enqueue_indirect_dma source(%dma_start3A_55 : memref<1000000x64xf32, #tpu.memory_space<hbm>>) target(%dma_start3A_49 : memref<100x64xf32, #tpu.memory_space<vmem>>) offsets(%dma_start3A_52 : memref<100xi32, #tpu.memory_space<vmem>>) semaphore(%arg9 : memref<!tpu.dma_semaphore, #tpu.memory_space<semaphore_mem>>)
    %scan3A_56 = arith.constant 0 : i32
    %scan3A_57 = arith.constant 0 : i32
    %scan3A_58 = arith.constant 128 : i32
    %scan3A_59 = arith.addi %scan3A_57, %scan3A_58 : i32
    %scan3A_60 = arith.constant 1 : i32
    %scan3A_61 = scf.for %scan3A_63 = %scan3A_57 to %scan3A_59 step %scan3A_60 iter_args(%scan3A_64 = %scan3A_56) -> (i32)  : i32 {
      %mul3A_65 = arith.constant 2 : i32
      %mul3A_66 = arith.muli %mul3A_65, %scan3A_63 : i32
      %add3A_67 = arith.constant 0 : i32
      %add3A_68 = arith.addi %mul3A_66, %add3A_67 : i32
      %add3A_69 = arith.constant 1 : i32
      %add3A_70 = arith.addi %add3A_68, %add3A_69 : i32
      %lt3A = arith.constant 256 : i32
      %lt3A_71 = arith.cmpi slt, %add3A_70, %lt3A : i32
      %convert_element_type3A = arith.extui %lt3A_71 : i1 to i32
      %cond3A = arith.constant 0 : i32
      %cond3A_72 = arith.cmpi ne, %convert_element_type3A, %cond3A : i32
      scf.if %cond3A_72 {
        %mul3A_210 = arith.constant 2 : i32
        %mul3A_211 = arith.muli %mul3A_210, %add3A_70 : i32
        %dma_start3A_212 = arith.constant 0 : i32
        %dma_start3A_213 = arith.constant 0 : i32
        %dma_start3A_214 = tpu.memref_slice %arg7[%dma_start3A_212, %dma_start3A_213] : memref<200x64xf32, #tpu.memory_space<vmem>> -> memref<100x64xf32, #tpu.memory_space<vmem>>
        %dma_start3A_215 = arith.constant 0 : i32
        %dma_start3A_216 = tpu.memref_slice %arg5[%mul3A_211, %dma_start3A_215] : memref<512x100xi32, #tpu.memory_space<vmem>> -> memref<1x100xi32, #tpu.memory_space<vmem>>
        %dma_start3A_217 = tpu.memref_squeeze %dma_start3A_216 : memref<1x100xi32, #tpu.memory_space<vmem>> -> memref<100xi32, #tpu.memory_space<vmem>>
        %dma_start3A_218 = arith.constant 0 : i32
        %dma_start3A_219 = arith.constant 0 : i32
        %dma_start3A_220 = tpu.memref_slice %arg3[%dma_start3A_218, %dma_start3A_219] : memref<1000000x64xf32, #tpu.memory_space<hbm>> -> memref<1000000x64xf32, #tpu.memory_space<hbm>>
        tpu.enqueue_indirect_dma source(%dma_start3A_220 : memref<1000000x64xf32, #tpu.memory_space<hbm>>) target(%dma_start3A_214 : memref<100x64xf32, #tpu.memory_space<vmem>>) offsets(%dma_start3A_217 : memref<100xi32, #tpu.memory_space<vmem>>) semaphore(%arg10 : memref<!tpu.dma_semaphore, #tpu.memory_space<semaphore_mem>>)
        %mul3A_221 = arith.constant 2 : i32
        %mul3A_222 = arith.muli %mul3A_221, %add3A_70 : i32
        %add3A_223 = arith.constant 1 : i32
        %add3A_224 = arith.addi %mul3A_222, %add3A_223 : i32
        %dma_start3A_225 = arith.constant 100 : i32
        %dma_start3A_226 = arith.constant 0 : i32
        %dma_start3A_227 = tpu.memref_slice %arg7[%dma_start3A_225, %dma_start3A_226] : memref<200x64xf32, #tpu.memory_space<vmem>> -> memref<100x64xf32, #tpu.memory_space<vmem>>
        %dma_start3A_228 = arith.constant 0 : i32
        %dma_start3A_229 = tpu.memref_slice %arg5[%add3A_224, %dma_start3A_228] : memref<512x100xi32, #tpu.memory_space<vmem>> -> memref<1x100xi32, #tpu.memory_space<vmem>>
        %dma_start3A_230 = tpu.memref_squeeze %dma_start3A_229 : memref<1x100xi32, #tpu.memory_space<vmem>> -> memref<100xi32, #tpu.memory_space<vmem>>
        %dma_start3A_231 = arith.constant 0 : i32
        %dma_start3A_232 = arith.constant 0 : i32
        %dma_start3A_233 = tpu.memref_slice %arg3[%dma_start3A_231, %dma_start3A_232] : memref<1000000x64xf32, #tpu.memory_space<hbm>> -> memref<1000000x64xf32, #tpu.memory_space<hbm>>
        tpu.enqueue_indirect_dma source(%dma_start3A_233 : memref<1000000x64xf32, #tpu.memory_space<hbm>>) target(%dma_start3A_227 : memref<100x64xf32, #tpu.memory_space<vmem>>) offsets(%dma_start3A_230 : memref<100xi32, #tpu.memory_space<vmem>>) semaphore(%arg10 : memref<!tpu.dma_semaphore, #tpu.memory_space<semaphore_mem>>)
      } else {
      }
      %mul3A_73 = arith.constant 2 : i32
      %mul3A_74 = arith.muli %mul3A_73, %add3A_68 : i32
      %dma_wait3A = arith.constant 0 : i32
      %dma_wait3A_75 = arith.constant 0 : i32
      %dma_wait3A_76 = tpu.memref_slice %arg6[%dma_wait3A, %dma_wait3A_75] : memref<200x64xf32, #tpu.memory_space<vmem>> -> memref<100x64xf32, #tpu.memory_space<vmem>>
      %dma_wait3A_77 = arith.constant 0 : i32
      %dma_wait3A_78 = tpu.memref_slice %arg5[%mul3A_74, %dma_wait3A_77] : memref<512x100xi32, #tpu.memory_space<vmem>> -> memref<1x100xi32, #tpu.memory_space<vmem>>
      %dma_wait3A_79 = tpu.memref_squeeze %dma_wait3A_78 : memref<1x100xi32, #tpu.memory_space<vmem>> -> memref<100xi32, #tpu.memory_space<vmem>>
      %dma_wait3A_80 = arith.constant 0 : i32
      %dma_wait3A_81 = arith.constant 0 : i32
      %dma_wait3A_82 = tpu.memref_slice %arg3[%dma_wait3A_80, %dma_wait3A_81] : memref<1000000x64xf32, #tpu.memory_space<hbm>> -> memref<1000000x64xf32, #tpu.memory_space<hbm>>
      tpu.wait_indirect_dma semaphore(%arg9 : memref<!tpu.dma_semaphore, #tpu.memory_space<semaphore_mem>>) src(%dma_wait3A_82 : memref<1000000x64xf32, #tpu.memory_space<hbm>>) dst(%dma_wait3A_76 : memref<100x64xf32, #tpu.memory_space<vmem>>)
      %mul3A_83 = arith.constant 2 : i32
      %mul3A_84 = arith.muli %mul3A_83, %add3A_68 : i32
      %add3A_85 = arith.constant 1 : i32
      %add3A_86 = arith.addi %mul3A_84, %add3A_85 : i32
      %dma_wait3A_87 = arith.constant 100 : i32
      %dma_wait3A_88 = arith.constant 0 : i32
      %dma_wait3A_89 = tpu.memref_slice %arg6[%dma_wait3A_87, %dma_wait3A_88] : memref<200x64xf32, #tpu.memory_space<vmem>> -> memref<100x64xf32, #tpu.memory_space<vmem>>
      %dma_wait3A_90 = arith.constant 0 : i32
      %dma_wait3A_91 = tpu.memref_slice %arg5[%add3A_86, %dma_wait3A_90] : memref<512x100xi32, #tpu.memory_space<vmem>> -> memref<1x100xi32, #tpu.memory_space<vmem>>
      %dma_wait3A_92 = tpu.memref_squeeze %dma_wait3A_91 : memref<1x100xi32, #tpu.memory_space<vmem>> -> memref<100xi32, #tpu.memory_space<vmem>>
      %dma_wait3A_93 = arith.constant 0 : i32
      %dma_wait3A_94 = arith.constant 0 : i32
      %dma_wait3A_95 = tpu.memref_slice %arg3[%dma_wait3A_93, %dma_wait3A_94] : memref<1000000x64xf32, #tpu.memory_space<hbm>> -> memref<1000000x64xf32, #tpu.memory_space<hbm>>
      tpu.wait_indirect_dma semaphore(%arg9 : memref<!tpu.dma_semaphore, #tpu.memory_space<semaphore_mem>>) src(%dma_wait3A_95 : memref<1000000x64xf32, #tpu.memory_space<hbm>>) dst(%dma_wait3A_89 : memref<100x64xf32, #tpu.memory_space<vmem>>)
      %broadcast_in_dim3A = arith.constant 0.000000e+00 : f32
      %broadcast_in_dim3A_96 = vector.broadcast %broadcast_in_dim3A : f32 to vector<16xf32>
      %scan3A_97 = arith.constant 0 : i32
      %scan3A_98 = arith.constant 200 : i32
      %scan3A_99 = arith.addi %scan3A_97, %scan3A_98 : i32
      %scan3A_100 = arith.constant 1 : i32
      %scan3A_101:4 = scf.for %scan3A_210 = %scan3A_97 to %scan3A_99 step %scan3A_100 iter_args(%scan3A_211 = %broadcast_in_dim3A_96, %scan3A_212 = %broadcast_in_dim3A_96, %scan3A_213 = %broadcast_in_dim3A_96, %scan3A_214 = %broadcast_in_dim3A_96) -> (vector<16xf32>, vector<16xf32>, vector<16xf32>, vector<16xf32>)  : i32 {
        %get3A = arith.index_cast %scan3A_210 : i32 to index
        %get3A_215 = arith.constant 0 : index
        %get3A_216 = tpu.vector_load %arg6[%get3A, %get3A_215] {strides = array<i32>} : memref<200x64xf32, #tpu.memory_space<vmem>>, vector<1x16xf32>,
        %get3A_217 = vector.shape_cast %get3A_216 : vector<1x16xf32> to vector<16xf32>
        %add3A_218 = arith.addf %scan3A_211, %get3A_217 : vector<16xf32>
        %get3A_219 = arith.index_cast %scan3A_210 : i32 to index
        %get3A_220 = arith.constant 16 : index
        %get3A_221 = tpu.vector_load %arg6[%get3A_219, %get3A_220] {strides = array<i32>} : memref<200x64xf32, #tpu.memory_space<vmem>>, vector<1x16xf32>,
        %get3A_222 = vector.shape_cast %get3A_221 : vector<1x16xf32> to vector<16xf32>
        %add3A_223 = arith.addf %scan3A_212, %get3A_222 : vector<16xf32>
        %get3A_224 = arith.index_cast %scan3A_210 : i32 to index
        %get3A_225 = arith.constant 32 : index
        %get3A_226 = tpu.vector_load %arg6[%get3A_224, %get3A_225] {strides = array<i32>} : memref<200x64xf32, #tpu.memory_space<vmem>>, vector<1x16xf32>,
        %get3A_227 = vector.shape_cast %get3A_226 : vector<1x16xf32> to vector<16xf32>
        %add3A_228 = arith.addf %scan3A_213, %get3A_227 : vector<16xf32>
        %get3A_229 = arith.index_cast %scan3A_210 : i32 to index
        %get3A_230 = arith.constant 48 : index
        %get3A_231 = tpu.vector_load %arg6[%get3A_229, %get3A_230] {strides = array<i32>} : memref<200x64xf32, #tpu.memory_space<vmem>>, vector<1x16xf32>,
        %get3A_232 = vector.shape_cast %get3A_231 : vector<1x16xf32> to vector<16xf32>
        %add3A_233 = arith.addf %scan3A_214, %get3A_232 : vector<16xf32>
        scf.yield %add3A_218, %add3A_223, %add3A_228, %add3A_233 : vector<16xf32>, vector<16xf32>, vector<16xf32>, vector<16xf32>
      }
      %scan3A_102 = arith.constant 200 : i32
      %mul3A_103 = arith.constant 5.000000e-03 : f32
      %mul3A_104 = vector.broadcast %mul3A_103 : f32 to vector<16xf32>
      %mul3A_105 = arith.mulf %scan3A_101#0, %mul3A_104 : vector<16xf32>
      %swap3A = arith.index_cast %add3A_68 : i32 to index
      %swap3A_106 = arith.constant 0 : index
      %swap3A_107 = tpu.vector_load %arg8[%swap3A, %swap3A_106] {strides = array<i32>} : memref<256x64xf32, #tpu.memory_space<vmem>>, vector<1x16xf32>,
      %swap3A_108 = vector.shape_cast %swap3A_107 : vector<1x16xf32> to vector<16xf32>
      %swap3A_109 = vector.shape_cast %mul3A_105 : vector<16xf32> to vector<1x16xf32>
      tpu.vector_store %arg8[%swap3A, %swap3A_106], %swap3A_109 {strides = array<i32>} : memref<256x64xf32, #tpu.memory_space<vmem>>, vector<1x16xf32>,
      %mul3A_110 = arith.constant 5.000000e-03 : f32
      %mul3A_111 = vector.broadcast %mul3A_110 : f32 to vector<16xf32>
      %mul3A_112 = arith.mulf %scan3A_101#1, %mul3A_111 : vector<16xf32>
      %swap3A_113 = arith.index_cast %add3A_68 : i32 to index
      %swap3A_114 = arith.constant 16 : index
      %swap3A_115 = tpu.vector_load %arg8[%swap3A_113, %swap3A_114] {strides = array<i32>} : memref<256x64xf32, #tpu.memory_space<vmem>>, vector<1x16xf32>,
      %swap3A_116 = vector.shape_cast %swap3A_115 : vector<1x16xf32> to vector<16xf32>
      %swap3A_117 = vector.shape_cast %mul3A_112 : vector<16xf32> to vector<1x16xf32>
      tpu.vector_store %arg8[%swap3A_113, %swap3A_114], %swap3A_117 {strides = array<i32>} : memref<256x64xf32, #tpu.memory_space<vmem>>, vector<1x16xf32>,
      %mul3A_118 = arith.constant 5.000000e-03 : f32
      %mul3A_119 = vector.broadcast %mul3A_118 : f32 to vector<16xf32>
      %mul3A_120 = arith.mulf %scan3A_101#2, %mul3A_119 : vector<16xf32>
      %swap3A_121 = arith.index_cast %add3A_68 : i32 to index
      %swap3A_122 = arith.constant 32 : index
      %swap3A_123 = tpu.vector_load %arg8[%swap3A_121, %swap3A_122] {strides = array<i32>} : memref<256x64xf32, #tpu.memory_space<vmem>>, vector<1x16xf32>,
      %swap3A_124 = vector.shape_cast %swap3A_123 : vector<1x16xf32> to vector<16xf32>
      %swap3A_125 = vector.shape_cast %mul3A_120 : vector<16xf32> to vector<1x16xf32>
      tpu.vector_store %arg8[%swap3A_121, %swap3A_122], %swap3A_125 {strides = array<i32>} : memref<256x64xf32, #tpu.memory_space<vmem>>, vector<1x16xf32>,
      %mul3A_126 = arith.constant 5.000000e-03 : f32
      %mul3A_127 = vector.broadcast %mul3A_126 : f32 to vector<16xf32>
      %mul3A_128 = arith.mulf %scan3A_101#3, %mul3A_127 : vector<16xf32>
      %swap3A_129 = arith.index_cast %add3A_68 : i32 to index
      %swap3A_130 = arith.constant 48 : index
      %swap3A_131 = tpu.vector_load %arg8[%swap3A_129, %swap3A_130] {strides = array<i32>} : memref<256x64xf32, #tpu.memory_space<vmem>>, vector<1x16xf32>,
      %swap3A_132 = vector.shape_cast %swap3A_131 : vector<1x16xf32> to vector<16xf32>
      %swap3A_133 = vector.shape_cast %mul3A_128 : vector<16xf32> to vector<1x16xf32>
      tpu.vector_store %arg8[%swap3A_129, %swap3A_130], %swap3A_133 {strides = array<i32>} : memref<256x64xf32, #tpu.memory_space<vmem>>, vector<1x16xf32>,
      %mul3A_134 = arith.constant 2 : i32
      %mul3A_135 = arith.muli %mul3A_134, %scan3A_63 : i32
      %add3A_136 = arith.constant 1 : i32
      %add3A_137 = arith.addi %mul3A_135, %add3A_136 : i32
      %add3A_138 = arith.constant 1 : i32
      %add3A_139 = arith.addi %add3A_137, %add3A_138 : i32
      %lt3A_140 = arith.constant 256 : i32
      %lt3A_141 = arith.cmpi slt, %add3A_139, %lt3A_140 : i32
      %convert_element_type3A_142 = arith.extui %lt3A_141 : i1 to i32
      %cond3A_143 = arith.constant 0 : i32
      %cond3A_144 = arith.cmpi ne, %convert_element_type3A_142, %cond3A_143 : i32
      scf.if %cond3A_144 {
        %mul3A_210 = arith.constant 2 : i32
        %mul3A_211 = arith.muli %mul3A_210, %add3A_139 : i32
        %dma_start3A_212 = arith.constant 0 : i32
        %dma_start3A_213 = arith.constant 0 : i32
        %dma_start3A_214 = tpu.memref_slice %arg6[%dma_start3A_212, %dma_start3A_213] : memref<200x64xf32, #tpu.memory_space<vmem>> -> memref<100x64xf32, #tpu.memory_space<vmem>>
        %dma_start3A_215 = arith.constant 0 : i32
        %dma_start3A_216 = tpu.memref_slice %arg5[%mul3A_211, %dma_start3A_215] : memref<512x100xi32, #tpu.memory_space<vmem>> -> memref<1x100xi32, #tpu.memory_space<vmem>>
        %dma_start3A_217 = tpu.memref_squeeze %dma_start3A_216 : memref<1x100xi32, #tpu.memory_space<vmem>> -> memref<100xi32, #tpu.memory_space<vmem>>
        %dma_start3A_218 = arith.constant 0 : i32
        %dma_start3A_219 = arith.constant 0 : i32
        %dma_start3A_220 = tpu.memref_slice %arg3[%dma_start3A_218, %dma_start3A_219] : memref<1000000x64xf32, #tpu.memory_space<hbm>> -> memref<1000000x64xf32, #tpu.memory_space<hbm>>
        tpu.enqueue_indirect_dma source(%dma_start3A_220 : memref<1000000x64xf32, #tpu.memory_space<hbm>>) target(%dma_start3A_214 : memref<100x64xf32, #tpu.memory_space<vmem>>) offsets(%dma_start3A_217 : memref<100xi32, #tpu.memory_space<vmem>>) semaphore(%arg9 : memref<!tpu.dma_semaphore, #tpu.memory_space<semaphore_mem>>)
        %mul3A_221 = arith.constant 2 : i32
        %mul3A_222 = arith.muli %mul3A_221, %add3A_139 : i32
        %add3A_223 = arith.constant 1 : i32
        %add3A_224 = arith.addi %mul3A_222, %add3A_223 : i32
        %dma_start3A_225 = arith.constant 100 : i32
        %dma_start3A_226 = arith.constant 0 : i32
        %dma_start3A_227 = tpu.memref_slice %arg6[%dma_start3A_225, %dma_start3A_226] : memref<200x64xf32, #tpu.memory_space<vmem>> -> memref<100x64xf32, #tpu.memory_space<vmem>>
        %dma_start3A_228 = arith.constant 0 : i32
        %dma_start3A_229 = tpu.memref_slice %arg5[%add3A_224, %dma_start3A_228] : memref<512x100xi32, #tpu.memory_space<vmem>> -> memref<1x100xi32, #tpu.memory_space<vmem>>
        %dma_start3A_230 = tpu.memref_squeeze %dma_start3A_229 : memref<1x100xi32, #tpu.memory_space<vmem>> -> memref<100xi32, #tpu.memory_space<vmem>>
        %dma_start3A_231 = arith.constant 0 : i32
        %dma_start3A_232 = arith.constant 0 : i32
        %dma_start3A_233 = tpu.memref_slice %arg3[%dma_start3A_231, %dma_start3A_232] : memref<1000000x64xf32, #tpu.memory_space<hbm>> -> memref<1000000x64xf32, #tpu.memory_space<hbm>>
        tpu.enqueue_indirect_dma source(%dma_start3A_233 : memref<1000000x64xf32, #tpu.memory_space<hbm>>) target(%dma_start3A_227 : memref<100x64xf32, #tpu.memory_space<vmem>>) offsets(%dma_start3A_230 : memref<100xi32, #tpu.memory_space<vmem>>) semaphore(%arg9 : memref<!tpu.dma_semaphore, #tpu.memory_space<semaphore_mem>>)
      } else {
      }
      %mul3A_145 = arith.constant 2 : i32
      %mul3A_146 = arith.muli %mul3A_145, %add3A_137 : i32
      %dma_wait3A_147 = arith.constant 0 : i32
      %dma_wait3A_148 = arith.constant 0 : i32
      %dma_wait3A_149 = tpu.memref_slice %arg7[%dma_wait3A_147, %dma_wait3A_148] : memref<200x64xf32, #tpu.memory_space<vmem>> -> memref<100x64xf32, #tpu.memory_space<vmem>>
      %dma_wait3A_150 = arith.constant 0 : i32
      %dma_wait3A_151 = tpu.memref_slice %arg5[%mul3A_146, %dma_wait3A_150] : memref<512x100xi32, #tpu.memory_space<vmem>> -> memref<1x100xi32, #tpu.memory_space<vmem>>
      %dma_wait3A_152 = tpu.memref_squeeze %dma_wait3A_151 : memref<1x100xi32, #tpu.memory_space<vmem>> -> memref<100xi32, #tpu.memory_space<vmem>>
      %dma_wait3A_153 = arith.constant 0 : i32
      %dma_wait3A_154 = arith.constant 0 : i32
      %dma_wait3A_155 = tpu.memref_slice %arg3[%dma_wait3A_153, %dma_wait3A_154] : memref<1000000x64xf32, #tpu.memory_space<hbm>> -> memref<1000000x64xf32, #tpu.memory_space<hbm>>
      tpu.wait_indirect_dma semaphore(%arg10 : memref<!tpu.dma_semaphore, #tpu.memory_space<semaphore_mem>>) src(%dma_wait3A_155 : memref<1000000x64xf32, #tpu.memory_space<hbm>>) dst(%dma_wait3A_149 : memref<100x64xf32, #tpu.memory_space<vmem>>)
      %mul3A_156 = arith.constant 2 : i32
      %mul3A_157 = arith.muli %mul3A_156, %add3A_137 : i32
      %add3A_158 = arith.constant 1 : i32
      %add3A_159 = arith.addi %mul3A_157, %add3A_158 : i32
      %dma_wait3A_160 = arith.constant 100 : i32
      %dma_wait3A_161 = arith.constant 0 : i32
      %dma_wait3A_162 = tpu.memref_slice %arg7[%dma_wait3A_160, %dma_wait3A_161] : memref<200x64xf32, #tpu.memory_space<vmem>> -> memref<100x64xf32, #tpu.memory_space<vmem>>
      %dma_wait3A_163 = arith.constant 0 : i32
      %dma_wait3A_164 = tpu.memref_slice %arg5[%add3A_159, %dma_wait3A_163] : memref<512x100xi32, #tpu.memory_space<vmem>> -> memref<1x100xi32, #tpu.memory_space<vmem>>
      %dma_wait3A_165 = tpu.memref_squeeze %dma_wait3A_164 : memref<1x100xi32, #tpu.memory_space<vmem>> -> memref<100xi32, #tpu.memory_space<vmem>>
      %dma_wait3A_166 = arith.constant 0 : i32
      %dma_wait3A_167 = arith.constant 0 : i32
      %dma_wait3A_168 = tpu.memref_slice %arg3[%dma_wait3A_166, %dma_wait3A_167] : memref<1000000x64xf32, #tpu.memory_space<hbm>> -> memref<1000000x64xf32, #tpu.memory_space<hbm>>
      tpu.wait_indirect_dma semaphore(%arg10 : memref<!tpu.dma_semaphore, #tpu.memory_space<semaphore_mem>>) src(%dma_wait3A_168 : memref<1000000x64xf32, #tpu.memory_space<hbm>>) dst(%dma_wait3A_162 : memref<100x64xf32, #tpu.memory_space<vmem>>)
      %broadcast_in_dim3A_169 = arith.constant 0.000000e+00 : f32
      %broadcast_in_dim3A_170 = vector.broadcast %broadcast_in_dim3A_169 : f32 to vector<16xf32>
      %scan3A_171 = arith.constant 0 : i32
      %scan3A_172 = arith.constant 200 : i32
      %scan3A_173 = arith.addi %scan3A_171, %scan3A_172 : i32
      %scan3A_174 = arith.constant 1 : i32
      %scan3A_175:4 = scf.for %scan3A_210 = %scan3A_171 to %scan3A_173 step %scan3A_174 iter_args(%scan3A_211 = %broadcast_in_dim3A_170, %scan3A_212 = %broadcast_in_dim3A_170, %scan3A_213 = %broadcast_in_dim3A_170, %scan3A_214 = %broadcast_in_dim3A_170) -> (vector<16xf32>, vector<16xf32>, vector<16xf32>, vector<16xf32>)  : i32 {
        %get3A = arith.index_cast %scan3A_210 : i32 to index
        %get3A_215 = arith.constant 0 : index
        %get3A_216 = tpu.vector_load %arg7[%get3A, %get3A_215] {strides = array<i32>} : memref<200x64xf32, #tpu.memory_space<vmem>>, vector<1x16xf32>,
        %get3A_217 = vector.shape_cast %get3A_216 : vector<1x16xf32> to vector<16xf32>
        %add3A_218 = arith.addf %scan3A_211, %get3A_217 : vector<16xf32>
        %get3A_219 = arith.index_cast %scan3A_210 : i32 to index
        %get3A_220 = arith.constant 16 : index
        %get3A_221 = tpu.vector_load %arg7[%get3A_219, %get3A_220] {strides = array<i32>} : memref<200x64xf32, #tpu.memory_space<vmem>>, vector<1x16xf32>,
        %get3A_222 = vector.shape_cast %get3A_221 : vector<1x16xf32> to vector<16xf32>
        %add3A_223 = arith.addf %scan3A_212, %get3A_222 : vector<16xf32>
        %get3A_224 = arith.index_cast %scan3A_210 : i32 to index
        %get3A_225 = arith.constant 32 : index
        %get3A_226 = tpu.vector_load %arg7[%get3A_224, %get3A_225] {strides = array<i32>} : memref<200x64xf32, #tpu.memory_space<vmem>>, vector<1x16xf32>,
        %get3A_227 = vector.shape_cast %get3A_226 : vector<1x16xf32> to vector<16xf32>
        %add3A_228 = arith.addf %scan3A_213, %get3A_227 : vector<16xf32>
        %get3A_229 = arith.index_cast %scan3A_210 : i32 to index
        %get3A_230 = arith.constant 48 : index
        %get3A_231 = tpu.vector_load %arg7[%get3A_229, %get3A_230] {strides = array<i32>} : memref<200x64xf32, #tpu.memory_space<vmem>>, vector<1x16xf32>,
        %get3A_232 = vector.shape_cast %get3A_231 : vector<1x16xf32> to vector<16xf32>
        %add3A_233 = arith.addf %scan3A_214, %get3A_232 : vector<16xf32>
        scf.yield %add3A_218, %add3A_223, %add3A_228, %add3A_233 : vector<16xf32>, vector<16xf32>, vector<16xf32>, vector<16xf32>
      }
      %scan3A_176 = arith.constant 200 : i32
      %mul3A_177 = arith.constant 5.000000e-03 : f32
      %mul3A_178 = vector.broadcast %mul3A_177 : f32 to vector<16xf32>
      %mul3A_179 = arith.mulf %scan3A_175#0, %mul3A_178 : vector<16xf32>
      %swap3A_180 = arith.index_cast %add3A_137 : i32 to index
      %swap3A_181 = arith.constant 0 : index
      %swap3A_182 = tpu.vector_load %arg8[%swap3A_180, %swap3A_181] {strides = array<i32>} : memref<256x64xf32, #tpu.memory_space<vmem>>, vector<1x16xf32>,
      %swap3A_183 = vector.shape_cast %swap3A_182 : vector<1x16xf32> to vector<16xf32>
      %swap3A_184 = vector.shape_cast %mul3A_179 : vector<16xf32> to vector<1x16xf32>
      tpu.vector_store %arg8[%swap3A_180, %swap3A_181], %swap3A_184 {strides = array<i32>} : memref<256x64xf32, #tpu.memory_space<vmem>>, vector<1x16xf32>,
      %mul3A_185 = arith.constant 5.000000e-03 : f32
      %mul3A_186 = vector.broadcast %mul3A_185 : f32 to vector<16xf32>
      %mul3A_187 = arith.mulf %scan3A_175#1, %mul3A_186 : vector<16xf32>
      %swap3A_188 = arith.index_cast %add3A_137 : i32 to index
      %swap3A_189 = arith.constant 16 : index
      %swap3A_190 = tpu.vector_load %arg8[%swap3A_188, %swap3A_189] {strides = array<i32>} : memref<256x64xf32, #tpu.memory_space<vmem>>, vector<1x16xf32>,
      %swap3A_191 = vector.shape_cast %swap3A_190 : vector<1x16xf32> to vector<16xf32>
      %swap3A_192 = vector.shape_cast %mul3A_187 : vector<16xf32> to vector<1x16xf32>
      tpu.vector_store %arg8[%swap3A_188, %swap3A_189], %swap3A_192 {strides = array<i32>} : memref<256x64xf32, #tpu.memory_space<vmem>>, vector<1x16xf32>,
      %mul3A_193 = arith.constant 5.000000e-03 : f32
      %mul3A_194 = vector.broadcast %mul3A_193 : f32 to vector<16xf32>
      %mul3A_195 = arith.mulf %scan3A_175#2, %mul3A_194 : vector<16xf32>
      %swap3A_196 = arith.index_cast %add3A_137 : i32 to index
      %swap3A_197 = arith.constant 32 : index
      %swap3A_198 = tpu.vector_load %arg8[%swap3A_196, %swap3A_197] {strides = array<i32>} : memref<256x64xf32, #tpu.memory_space<vmem>>, vector<1x16xf32>,
      %swap3A_199 = vector.shape_cast %swap3A_198 : vector<1x16xf32> to vector<16xf32>
      %swap3A_200 = vector.shape_cast %mul3A_195 : vector<16xf32> to vector<1x16xf32>
      tpu.vector_store %arg8[%swap3A_196, %swap3A_197], %swap3A_200 {strides = array<i32>} : memref<256x64xf32, #tpu.memory_space<vmem>>, vector<1x16xf32>,
      %mul3A_201 = arith.constant 5.000000e-03 : f32
      %mul3A_202 = vector.broadcast %mul3A_201 : f32 to vector<16xf32>
      %mul3A_203 = arith.mulf %scan3A_175#3, %mul3A_202 : vector<16xf32>
      %swap3A_204 = arith.index_cast %add3A_137 : i32 to index
      %swap3A_205 = arith.constant 48 : index
      %swap3A_206 = tpu.vector_load %arg8[%swap3A_204, %swap3A_205] {strides = array<i32>} : memref<256x64xf32, #tpu.memory_space<vmem>>, vector<1x16xf32>,
      %swap3A_207 = vector.shape_cast %swap3A_206 : vector<1x16xf32> to vector<16xf32>
      %swap3A_208 = vector.shape_cast %mul3A_203 : vector<16xf32> to vector<1x16xf32>
      tpu.vector_store %arg8[%swap3A_204, %swap3A_205], %swap3A_208 {strides = array<i32>} : memref<256x64xf32, #tpu.memory_space<vmem>>, vector<1x16xf32>,
      %scan3A_209 = arith.constant 0 : i32
      scf.yield %scan3A_209 : i32
    }
    %scan3A_62 = arith.constant 128 : i32
    "tpu.region"() ({
      %run_scoped3A = tpu.sem_alloc : memref<!tpu.dma_semaphore, #tpu.memory_space<semaphore_mem>>
      %dma_start3A_63 = arith.constant 0 : i32
      %dma_start3A_64 = tpu.memref_slice %arg4[%add3A_33, %dma_start3A_63] : memref<16384x64xf32, #tpu.memory_space<hbm>> -> memref<256x64xf32, #tpu.memory_space<hbm>>
      %dma_start3A_65 = arith.constant 0 : i32
      %dma_start3A_66 = tpu.memref_slice %arg4[%add3A_33, %dma_start3A_65] : memref<16384x64xf32, #tpu.memory_space<hbm>> -> memref<256x64xf32, #tpu.memory_space<hbm>>
      tpu.enqueue_dma source(%arg8 : memref<256x64xf32, #tpu.memory_space<vmem>>) target(%dma_start3A_66 : memref<256x64xf32, #tpu.memory_space<hbm>>) target_semaphore(%run_scoped3A : memref<!tpu.dma_semaphore, #tpu.memory_space<semaphore_mem>>)
      %dma_wait3A = arith.constant 0 : i32
      %dma_wait3A_67 = tpu.memref_slice %arg4[%add3A_33, %dma_wait3A] : memref<16384x64xf32, #tpu.memory_space<hbm>> -> memref<256x64xf32, #tpu.memory_space<hbm>>
      %dma_wait3A_68 = arith.constant 0 : i32
      %dma_wait3A_69 = tpu.memref_slice %arg4[%add3A_33, %dma_wait3A_68] : memref<16384x64xf32, #tpu.memory_space<hbm>> -> memref<256x64xf32, #tpu.memory_space<hbm>>
      tpu.wait_dma2 semaphore(%run_scoped3A : memref<!tpu.dma_semaphore, #tpu.memory_space<semaphore_mem>>) src(%arg8 : memref<256x64xf32, #tpu.memory_space<vmem>>) dst(%dma_wait3A_69 : memref<256x64xf32, #tpu.memory_space<hbm>>)
      tpu.yield
    }) : () -> ()
    return
  }
}

</mosaic_0001>

<sc_bundles>
// kernel: kernel.3.cloned.1.call-start
scs
__scs_entry_jumppad:
0x0: {  	(pc) =	sbr.rel $0x88, $3  }
0x1: {  	(tag) =	ssettag $0x0;
	lr =	simm.s32 $0x1  }
0x2: {  	[smem:$0x3F9F] =	sst lr;
	_ =	strace $0xD0000000  }
0x3: {  	_ = 	snop  }
0x4: {  	_ = 	snop  }
0x5: {  	_ = 	snop  }
0x6: {  	_ = 	snop  }
0x7: {  	_ = 	snop  }
__scs_overlays_trampoline_lowered:
0x8: {  	[smem:$0x3FAE] =	sst s0  }
0x9: {  	[smem:$0x3FAF] =	sst s1  }
0xa: {  	[smem:$0x3FB0] =	sst s2  }
0xb: {  	[smem:$0x3FB1] =	sst s3  }
0xc: {  	[smem:$0x3FB2] =	sst s4  }
0xd: {  	[smem:$0x3FB3] =	sst s5  }
0xe: {  	[smem:$0x3FB4] =	sst s6  }
0xf: {  	[smem:$0x3FB5] =	sst s7  }
0x10: {  	[smem:$0x3FB6] =	sst s8  }
0x11: {  	[smem:$0x3FB7] =	sst s9;
	s0 =	simm.s32 @!p0 $0x0  }
0x12: {  	s1 =	sld [smem:$0x3F9D];
	s0 =	simm.s32 @p0 $0x1  }
0x13: {  	[smem:$0x3FB8] =	sst s0;
	s0 =	simm.s32 @!p1 $0x0  }
0x14: {  	s2 =	sld [smem:$0x3F9C];
	s0 =	simm.s32 @p1 $0x1  }
0x15: {  	[smem:$0x3FB9] =	sst s0;
	s0 =	simm.s32 @!p2 $0x0  }
0x16: {  	s3 =	sld [smem:$0x3FDB];
	s0 =	simm.s32 @p2 $0x1  }
0x17: {  	s4 =	simm.s32 $0x1BF5;
	[smem:$0x3FBB] =	sst s0  }
0x18: {  	s0 =	sld [smem:$0x3F9E];
	_ =	swait.ge [sflag:s4], $0x0  }
0x19: {  	s7 =	sld [smem:$0x3F9F]  }
0x1a: {  	s8 =	sadd.s32 $0xFFFFE003, lr  }
0x1b: {  	s9 =	sadd.s32 $0xFFFFFEF7, lr;
	s5 =	simm.s32 $0xFFFFFFFF;
	p2 =	slt.u32 s8, $0xFFFFF086  }
0x1c: {  	p1 =	slt.u32 s9, $0xF7A;
	s5 =	simm.s32 @!p2 $0x0  }
0x1d: {  	s5 =	simm.s32 @p1 $0x1;
	p0 =	seq.s32 s7, s2  }
0x1e: {  	s7 =	smul.u32 @!p0 $0xF7A, s2;
	p2 =	seq.s32 @!p0 s5, $0x0  }
0x1f: {  	s9 =	smul.u32 $0xF7A, s1;
	s8 =	simm.s32 @!p0 $0x1BF5;
	p2 =	por !p2, p0  }
0x20: {  	[sflag:s8] =	ssyncset.s32 @!p0 $0xFFFFF086;
	s6 =	sadd.s32 @!p0 s3, s7;
	s7 =	simm.s32 @!p0 $0x108  }
0x21: {  	s3 =	sadd.s32 s3, s9;
	s6 =	sadd.s32 @!p0 $0x88, s6;
	s7 =	simm.s32 @p2 $0x1082  }
0x22: {  	[simem:s7], [sflag:s8] =	dma.local @!p0 [hbm:s6], $0xF7A  }
0x23: {  	s9 =	sor.u32 $0xD0000000, s2;
	s6 =	simm.s32 $0x108;
	_ =	swait.ge @!p0 [sflag:s8], $0x0  }
0x24: {  	s3 =	sadd.s32 $0x88, s3;
	s6 =	simm.s32 @!p1 $0x1082;
	[sflag:s4] =	ssyncset.s32 $0xFFFFF086  }
0x25: {  	[simem:s6], [sflag:s4] =	dma.local [hbm:s3], $0xF7A  }
0x26: {  	[smem:$0x3F9F] =	sst s1;
	(tag) =	ssettag s2;
	_ =	strace s9  }
0x27: {  	s1 =	sld [smem:$0x3FAF]  }
0x28: {  	s2 =	sld [smem:$0x3FB0]  }
0x29: {  	s4 =	sld [smem:$0x3FB2]  }
0x2a: {  	p0 =	seq.s32 s5, $0x0;
	s5 =	sld [smem:$0x3FB3]  }
0x2b: {  	s6 =	sld [smem:$0x3FB4]  }
0x2c: {  	s7 =	sld [smem:$0x3FB5]  }
0x2d: {  	s3 =	simm.s32 $0x108;
	s8 =	sld [smem:$0x3FB6]  }
0x2e: {  	s3 =	simm.s32 @!p0 $0x1082;
	s9 =	sld [smem:$0x3FB7]  }
0x2f: {  	lr =	sadd.s32 s0, s3;
	s0 =	sld [smem:$0x3FAE]  }
0x30: {  	s3 =	sld [smem:$0x3FB1]  }
0x31: {  	[smem:$0x3FBA] =	sst s10  }
0x32: {  	s10 =	sld [smem:$0x3FB8];
	_ =	sdelay $0x3  }
0x33: {  	p0 =	seq.s32 s10, $0x1;
	s10 =	sld [smem:$0x3FBA];
	_ =	sdelay $0x3  }
0x34: {  	[smem:$0x3FBA] =	sst s10  }
0x35: {  	s10 =	sld [smem:$0x3FB9];
	_ =	sdelay $0x3  }
0x36: {  	p1 =	seq.s32 s10, $0x1;
	s10 =	sld [smem:$0x3FBA];
	_ =	sdelay $0x3  }
0x37: {  	[smem:$0x3FBA] =	sst s10  }
0x38: {  	s10 =	sld [smem:$0x3FBB]  }
0x39: {  	_ = 	snop;
	(pc) =	sbr.ind lr, $3  }
0x3a: {  	_ = 	snop  }
0x3b: {  	_ = 	snop  }
0x3c: {  	p2 =	seq.s32 s10, $0x1;
	s10 =	sld [smem:$0x3FBA]  }
0x3d: {  	_ =	shalt  }
0x3e: {  	_ =	shalt  }
0x3f: {  	_ =	shalt  }
0x40: {  	_ =	shalt  }
0x41: {  	_ =	shalt  }
0x42: {  	_ =	shalt  }
0x43: {  	_ =	shalt  }
0x44: {  	_ =	shalt  }
0x45: {  	_ =	shalt  }
0x46: {  	_ =	shalt  }
0x47: {  	_ =	shalt  }
0x48: {  	_ =	shalt  }
0x49: {  	_ =	shalt  }
0x4a: {  	_ =	shalt  }
0x4b: {  	_ =	shalt  }
0x4c: {  	_ =	shalt  }
0x4d: {  	_ =	shalt  }
0x4e: {  	_ =	shalt  }
0x4f: {  	_ =	shalt  }
0x50: {  	_ =	shalt  }
0x51: {  	_ =	shalt  }
0x52: {  	_ =	shalt  }
0x53: {  	_ =	shalt  }
0x54: {  	_ =	shalt  }
0x55: {  	_ =	shalt  }
0x56: {  	_ =	shalt  }
0x57: {  	_ =	shalt  }
0x58: {  	_ =	shalt  }
0x59: {  	_ =	shalt  }
0x5a: {  	_ =	shalt  }
0x5b: {  	_ =	shalt  }
0x5c: {  	_ =	shalt  }
0x5d: {  	_ =	shalt  }
0x5e: {  	_ =	shalt  }
0x5f: {  	_ =	shalt  }
0x60: {  	_ =	shalt  }
0x61: {  	_ =	shalt  }
0x62: {  	_ =	shalt  }
0x63: {  	_ =	shalt  }
0x64: {  	_ =	shalt  }
0x65: {  	_ =	shalt  }
0x66: {  	_ =	shalt  }
0x67: {  	_ =	shalt  }
0x68: {  	_ =	shalt  }
0x69: {  	_ =	shalt  }
0x6a: {  	_ =	shalt  }
0x6b: {  	_ =	shalt  }
0x6c: {  	_ =	shalt  }
0x6d: {  	_ =	shalt  }
0x6e: {  	_ =	shalt  }
0x6f: {  	_ =	shalt  }
0x70: {  	_ =	shalt  }
0x71: {  	_ =	shalt  }
0x72: {  	_ =	shalt  }
0x73: {  	_ =	shalt  }
0x74: {  	_ =	shalt  }
0x75: {  	_ =	shalt  }
0x76: {  	_ =	shalt  }
0x77: {  	_ =	shalt  }
0x78: {  	_ =	shalt  }
0x79: {  	_ =	shalt  }
0x7a: {  	_ =	shalt  }
0x7b: {  	_ =	shalt  }
0x7c: {  	_ =	shalt  }
0x7d: {  	_ =	shalt  }
0x7e: {  	_ =	shalt  }
0x7f: {  	_ =	shalt  }
0x80: {  	_ =	shalt  }
0x81: {  	_ =	shalt  }
0x82: {  	_ =	shalt  }
0x83: {  	_ =	shalt  }
0x84: {  	_ =	shalt  }
0x85: {  	_ =	shalt  }
0x86: {  	_ =	shalt  }
0x87: {  	_ =	shalt  }
.Lfunc_end0:
.L_simem_size_0:
called_computation_lowered:
.L_overlay_start_0:
0x88: {  	s2 =	sld [smem:$0x3FD9]  }
0x89: {  	s3 =	sld [smem:$0x3FFE];
	_ =	sdelay $0x1  }
0x8a: {  	s1 =	srdreg.scid  }
0x8b: {  	s0 =	sand.u32 $0x1, s1  }
0x8c: {  	s17 =	sshll.u32 s0, $0xA;
	s2 =	sadd.s32 s3, s2  }
0x8d: {  	s2 =	sadd.s32 s2, s17  }
0x8e: {  	[smem:$0x3FC6] =	sst s2  }
0x8f: {  	_ = 	snop  }
0x90: {  	s2 =	sld [smem:$0x3FD0];
	(tm) =	ssettm $0x1  }
0x91: {  	s18 =	sld [smem:$0x3FFB];
	_ =	sdelay $0x3  }
0x92: {  	_ =	strace s18  }
0x93: {  	s3 =	sld [smem:$0x3FFC];
	_ =	sdelay $0x3  }
0x94: {  	_ =	strace s3  }
0x95: {  	s3 =	sld [smem:$0x3FFD];
	_ =	sdelay $0x3  }
0x96: {  	_ =	strace s3  }
0x97: {  	_ =	strace $0x8FFFFFFF  }
0x98: {  	s19 =	sld [smem:$0x3FDB];
	_ =	sdelay $0x1  }
0x99: {  	s4 =	simm.s32 $_scs_section_size  }
0x9a: {  	s5 =	simm.s32 $_size__tile_overlayer_lowered;
	s6 =	simm.s32 $_tile_overlayer_lowered  }
0x9b: {  	s22 =	simm.s32 $0x1BFF;
	s21 =	sshll.u32 s6, $0x1;
	s3 =	sadd.s32 s4, s19  }
0x9c: {  	s7 =	simm.s32 $0x0;
	s20 =	sshll.u32 s5, $0x1;
	s5 =	sadd.s32 s21, s3  }
0x9d: {  	[timem:s7], [sflag:s22] =	dma.local [hbm:s5], s20  }
0x9e: {  	_ =	swait.ge [sflag:s22], s20  }
0x9f: {  	s4 =	ssub.s32 $0x0, s20;
	[sflag:s22] =	ssyncset.done $0x0  }
0xa0: {  	[sflag:s22] =	ssyncadd.s32 s4;
	_ =	sdelay $0x1  }
0xa1: {  	s23 =	simm.s32 $0x1B8B  }
0xa2: {  	_ =	swait.ge [sflag:s23], $0x1  }
0xa3: {  	[sflag:s23] =	ssyncset.done $0x0  }
0xa4: {  	s25 =	simm.s32 $0x1B8E;
	s24 =	sld [smem:$0x3FFE];
	[sflag:s23] =	ssyncadd.s32 $0xFFFFFFFF  }
0xa5: {  	s26 =	simm.s32 $execute0_lowered;
	[smem:$0x3FD2] =	sst s25  }
0xa6: {  	s5 =	sshll.u32 s26, $0x1;
	_ =	strace $0x80000046;
	[dreg:$0x1] =	wrdreg $0xFFFFFFFF  }
0xa7: {  	s28 =	simm.s32 $_size_execute0_lowered;
	s3 =	sadd.s32 s3, s5;
	[dreg:$0x0] =	wrdreg $0x0  }
0xa8: {  	s5 =	sshll.u32 s28, $0x1;
	[dreg:$0x2] =	wrdreg s3  }
0xa9: {  	[dreg:$0x3] =	wrdreg s5  }
0xaa: {  	[dreg:$0x4] =	wrdreg $0xC0  }
0xab: {  	_ =	task [dreg:s7], $0x5FFFF  }
0xac: {  	[dreg:$0x1] =	wrdreg $0xFFFFFFFF  }
0xad: {  	[dreg:$0x0] =	wrdreg $0x60  }
0xae: {  	[dreg:$0x2] =	wrdreg s24  }
0xaf: {  	[dreg:$0x3] =	wrdreg s2  }
0xb0: {  	[dreg:$0x4] =	wrdreg $0x9  }
0xb1: {  	_ =	task.clear_ibuf [dreg:s7], $0x5FFFF;
	_ =	strace $0x90000046  }
0xb2: {  	s29 =	simm.s32 $0x9;
	_ =	strace $0x80000048  }
0xb3: {  	_ =	swait.ge [sflag:s29], $0x1  }
0xb4: {  	[sflag:s29] =	ssyncadd.s32 $0xFFFFFFFF  }
0xb5: {  	_ =	strace $0x90000048  }
0xb6: {  	_ =	sfence  }
0xb7: {  	s30 =	sld [smem:$0x0];
	_ =	sdelay $0x2  }
0xb8: {  	s31 =	sshll.u32 s1, $0xD;
	s1 =	sshrl.u32 s1, $0x2  }
0xb9: {  	s3 =	sand.u32 $0x4000, s31;
	s1 =	sadd.s32 s1, s30  }
0xba: {  	s0 =	sor.u32 s3, s0;
	s1 =	sshll.u32 s1, $0x11  }
0xbb: {  	s0 =	sor.u32 s1, s0  }
0xbc: {  	s0 =	sadd.s32 $0x8F2B, s0  }
0xbd: {  	[sflag:s0] =	ssyncadd.remote.s32 $0x1  }
0xbe: {  	_ =	sfence.sel $0xFFFF  }
0xbf: {  	[dreg:$0x0] =	wrdreg $0xFFFFFFFF;
	(pc) =	sbr.abs _section_cstart, $3  }
0xc0: {  	[dreg:$0x1] =	wrdreg $0xFFFFFFFF  }
0xc1: {  	_ =	task.clear_ibuf [dreg:s7], $0x2FFFF;
	_ =	strace $0x9FFFFFFF  }
0xc2: {  	(tm) =	ssettm $0x7FFFFFFF  }
0xc3: {  	_ =	shalt  }
tec
execute0_lowered:
.L_overlay_start_1:
0x0: {  	(tag) =	ssettag $0x1  }
0x1: {  	s3 =	rddreg [dreg:$0x0]  }
0x2: {  	s7 =	rddreg [dreg:$0x1]  }
0x3: {  	s0 =	rddreg [dreg:$0x2];
	s2 =	simm.s32 $0x0;
	s4 =	srdreg.scid  }
0x4: {  	s1 =	stileid.u32;
	s12 =	simm.s32 $0x68;
	s13 =	simm.s32 $0xE900  }
0x5: {  	s14 =	simm.s32 $0x10200;
	s15 =	simm.s32 $0x11B00;
	s16 =	simm.s32 $0x1  }
0x6: {  	s17 =	simm.s32 $0x2;
	s18 =	simm.s32 $0x13400;
	s19 =	simm.s32 $0x0  }
0x7: {  	[smem:$0x7FF] =	sst s2;
	s4 =	sand.u32 $0x1, s4;
	s5 =	sshll.u32 s1, $0x1  }
0x8: {  	s6 =	sadd.s32 $0x600, s3;
	s3 =	sadd.s32 $0xF42A00, s3;
	s5 =	sor.u32 s4, s5  }
0x9: {  	_ =	strace $0x80000047;
	s4 =	ssub.s32 $0x2, s4;
	s8 =	sshll.u32 s5, $0x9  }
0xa: {  	s9 =	sshrl.u32 s4, $0x1;
	s10 =	smul.u32 $0x3400, s5;
	s5 =	sshll.u32 s5, $0xC  }
0xb: {  	s8 =	sor.u32 $0x100, s8;
	s9 =	ssub.s32 s4, s9;
	s5 =	sadd.s32 s7, s5  }
0xc: {  	s11 =	smul.u32 $0x1A, s8;
	s4 =	sadd.s32 s6, s10;
	s8 =	sshll.u32 s8, $0x3  }
0xd: {  	s10 =	simm.s32 $0x64;
	s7 =	sadd.s32 s7, s8;
	s8 =	smax.u32 s9, $0x1  }
0xe: {  	s9 =	simm.s32 $0x3;
	s6 =	sadd.s32 s6, s11;
	s11 =	simm.s32 $0xD000  }
.LBB2_1:
0xf: {  	[tilespmem:s2], [sflag:$0x3] =	stream.linear.gather [hbm4b:s4+s2], $0xD000, $0x38;
	[tilespmem:$0x17400] =	vst v63  }
0x10: {  	_ =	swait.ge [sflag:s9], $0xD000  }
0x11: {  	[sflag:s9] =	ssyncset.done $0x0  }
0x12: {  	[sflag:s9] =	ssyncadd.s32 $0xFFFF3000  }
0x13: {  	[tilespmem:s11], [sflag:$0x1] =	stream.indirect.gather [hbm4b:s3+s10], $0x40, s2, s10, $0xb8;
	[tilespmem:$0x17400] =	vst v63  }
0x14: {  	s20 =	simm.s32 $0x0  }
0x15: {  	[tilespmem:s13], [sflag:$0x1] =	stream.indirect.gather [hbm4b:s3+s10], $0x40, s12, s10, $0xb8;
	[tilespmem:$0x17400] =	vst v63  }
.LBB2_2:
0x16: {  	s21 =	sshllo.u32 s20, $0x1  }
0x17: {  	s22 =	smul.u32 $0x340, s21;
	_ =	sdelay $0x1  }
0x18: {  	s22 =	sshra.s32 s22, $0x2  }
0x19: {  	[tilespmem:s14], [sflag:$0x2] =	stream.indirect.gather [hbm4b:s3+s10], $0x40, s22, s10, $0xb8;
	[tilespmem:$0x17400] =	vst v63  }
0x1a: {  	s22 =	sadd.s32 $0x68, s22  }
0x1b: {  	[tilespmem:s15], [sflag:$0x2] =	stream.indirect.gather [hbm4b:s3+s10], $0x40, s22, s10, $0xb8;
	[tilespmem:$0x17400] =	vst v63  }
0x1c: {  	_ =	swait.ge [sflag:s16], $0x1900  }
0x1d: {  	[sflag:s16] =	ssyncset.done $0x0  }
0x1e: {  	[sflag:s16] =	ssyncadd.s32 $0xFFFFE700  }
0x1f: {  	_ =	swait.ge [sflag:s16], $0x1900  }
0x20: {  	[sflag:s16] =	ssyncset.done $0x0  }
0x21: {  	s23 =	simm.s32 $0x0;
	[sflag:s16] =	ssyncadd.s32 $0xFFFFE700  }
0x22: {  	v1 =	vld [tilespmem:s23+$0xD030]  }
0x23: {  	v2 =	vld [tilespmem:s23+$0xD000]  }
0x24: {  	v0 =	vimm.f32 $0.0e+00;
	v3 =	vld [tilespmem:s23+$0xD010]  }
0x25: {  	v5 =	vimm.f32 $0.0e+00;
	v6 =	vimm.f32 $0.0e+00;
	v7 =	vimm.f32 $0.0e+00;
	s22 =	simm.s32 $0x100;
	v4 =	vld [tilespmem:s23+$0xD020]  }
.LBB2_3:
0x26: {  	p0 =	sne.s32 s22, $0xC700  }
.Ltmp0:
0x27: {  	s23 =	sshra.s32 s22, $0x2;
	s22 =	sadd.s32 $0x100, s22;
	v0 =	vadd.f32 v1, v0;
	(pc) =	sbr.rel @p0 .LBB2_3-.Ltmp0, $4  }
0x28: {  	v1 =	vld [tilespmem:s23+$0xD030];
	v5 =	vadd.f32 v2, v5  }
0x29: {  	v2 =	vld [tilespmem:s23+$0xD000];
	v6 =	vadd.f32 v3, v6  }
0x2a: {  	v3 =	vld [tilespmem:s23+$0xD010];
	v7 =	vadd.f32 v4, v7  }
0x2b: {  	v4 =	vld [tilespmem:s23+$0xD020]  }
0x2c: {  	_ = 	snop  }
0x2d: {  	v0 =	vadd.f32 v1, v0  }
0x2e: {  	v2 =	vadd.f32 v2, v5  }
0x2f: {  	s22 =	sshll.u32 s20, $0x7;
	v3 =	vadd.f32 v3, v6;
	v0 =	vmul.f32 $4.999999890e-03, v0  }
0x30: {  	p0 =	seq.s32 s20, $0x7F;
	s22 =	sand.u32 $0x3FFFFF80, s22;
	v4 =	vadd.f32 v4, v7;
	v2 =	vmul.f32 $4.999999890e-03, v2  }
0x31: {  	s23 =	smul.u32 @!p0 $0x680, s20;
	v1 =	vmul.f32 $4.999999890e-03, v3;
	[tilespmem:s22+$0x13430] =	vst v0  }
0x32: {  	[tilespmem:s22+$0x13400] =	vst v2;
	v2 =	vmul.f32 $4.999999890e-03, v4  }
0x33: {  	s23 =	sshra.s32 @!p0 s23, $0x2;
	[tilespmem:s22+$0x13410] =	vst v1  }
0x34: {  	s24 =	simm.s32 @!p0 $0x64;
	s25 =	simm.s32 @!p0 $0xD000;
	[tilespmem:s22+$0x13420] =	vst v2;
	s22 =	sadd.s32 @!p0 $0x1A0, s23  }
0x35: {  	[tilespmem:s25], [sflag:$0x1] =	stream.indirect.gather @!p0 [hbm4b:s3+s24], $0x40, s22, s24, $0xb8;
	[tilespmem:$0x17400] =	vst v63  }
0x36: {  	s22 =	sadd.s32 @!p0 $0x208, s23;
	s23 =	simm.s32 @!p0 $0xE900  }
0x37: {  	[tilespmem:s23], [sflag:$0x1] =	stream.indirect.gather @!p0 [hbm4b:s3+s24], $0x40, s22, s24, $0xb8;
	[tilespmem:$0x17400] =	vst v63  }
0x38: {  	_ =	swait.ge [sflag:s17], $0x1900  }
0x39: {  	[sflag:s17] =	ssyncset.done $0x0  }
0x3a: {  	[sflag:s17] =	ssyncadd.s32 $0xFFFFE700  }
0x3b: {  	_ =	swait.ge [sflag:s17], $0x1900  }
0x3c: {  	[sflag:s17] =	ssyncset.done $0x0  }
0x3d: {  	s31 =	simm.s32 $0x0;
	[sflag:s17] =	ssyncadd.s32 $0xFFFFE700  }
0x3e: {  	v1 =	vld [tilespmem:s31+$0x10230]  }
0x3f: {  	v2 =	vld [tilespmem:s31+$0x10200]  }
0x40: {  	v5 =	vimm.f32 $0.0e+00;
	v3 =	vld [tilespmem:s31+$0x10210]  }
0x41: {  	v6 =	vimm.f32 $0.0e+00;
	v7 =	vimm.f32 $0.0e+00;
	v0 =	vimm.f32 $0.0e+00;
	s22 =	simm.s32 $0x100;
	v4 =	vld [tilespmem:s31+$0x10220]  }
.LBB2_5:
0x42: {  	p0 =	sne.s32 s22, $0xC700  }
.Ltmp1:
0x43: {  	s23 =	sshra.s32 s22, $0x2;
	s22 =	sadd.s32 $0x100, s22;
	v0 =	vadd.f32 v1, v0;
	(pc) =	sbr.rel @p0 .LBB2_5-.Ltmp1, $4  }
0x44: {  	v1 =	vld [tilespmem:s23+$0x10230];
	v5 =	vadd.f32 v2, v5  }
0x45: {  	v2 =	vld [tilespmem:s23+$0x10200];
	v6 =	vadd.f32 v3, v6  }
0x46: {  	v3 =	vld [tilespmem:s23+$0x10210];
	v7 =	vadd.f32 v4, v7  }
0x47: {  	v4 =	vld [tilespmem:s23+$0x10220]  }
0x48: {  	_ = 	snop  }
0x49: {  	v0 =	vadd.f32 v1, v0  }
0x4a: {  	s20 =	sadd.s32 $0x1, s20;
	v2 =	vadd.f32 v2, v5  }
0x4b: {  	s21 =	sshll.u32 s21, $0x6;
	p0 =	sne.s32 s20, $0x80;
	v3 =	vadd.f32 v3, v6;
	v0 =	vmul.f32 $4.999999890e-03, v0  }
.Ltmp2:
0x4c: {  	s21 =	sand.u32 $0x3FFFFFC0, s21;
	v4 =	vadd.f32 v4, v7;
	v2 =	vmul.f32 $4.999999890e-03, v2;
	(pc) =	sbr.rel @p0 .LBB2_2-.Ltmp2, $4  }
0x4d: {  	v62 =	vmul.f32 $4.999999890e-03, v3;
	[tilespmem:s21+$0x13430] =	vst v0  }
0x4e: {  	[tilespmem:s21+$0x13400] =	vst v2;
	v63 =	vmul.f32 $4.999999890e-03, v4  }
0x4f: {  	[tilespmem:s21+$0x13410] =	vst v62  }
0x50: {  	[tilespmem:s21+$0x13420] =	vst v63  }
0x51: {  	s20 =	simm.s32 $0x0  }
0x52: {  	[hbm4b:s5+s20] =	stream.linear.scatter [tilespmem:s18], [sflag:$0x3], $0x4000, $0x38;
	[tilespmem:$0x17400] =	vst v63  }
0x53: {  	_ =	swait.ge [sflag:s9], $0x4000  }
0x54: {  	[sflag:s9] =	ssyncset.done $0x0  }
0x55: {  	[sflag:s9] =	ssyncadd.s32 $0xFFFFC000  }
0x56: {  	[tilespmem:s20], [sflag:$0x3] =	stream.linear.gather [hbm4b:s6+s20], $0xD000, $0x38;
	[tilespmem:$0x17400] =	vst v63  }
0x57: {  	_ =	swait.ge [sflag:s9], $0xD000  }
0x58: {  	[sflag:s9] =	ssyncset.done $0x0  }
0x59: {  	[sflag:s9] =	ssyncadd.s32 $0xFFFF3000  }
0x5a: {  	[tilespmem:s11], [sflag:$0x1] =	stream.indirect.gather [hbm4b:s3+s10], $0x40, s20, s10, $0xb8;
	[tilespmem:$0x17400] =	vst v63  }
0x5b: {  	_ = 	snop  }
0x5c: {  	[tilespmem:s13], [sflag:$0x1] =	stream.indirect.gather [hbm4b:s3+s10], $0x40, s12, s10, $0xb8;
	[tilespmem:$0x17400] =	vst v63  }
.LBB2_8:
0x5d: {  	s21 =	sshllo.u32 s20, $0x1  }
0x5e: {  	s22 =	smul.u32 $0x340, s21;
	_ =	sdelay $0x1  }
0x5f: {  	s22 =	sshra.s32 s22, $0x2  }
0x60: {  	[tilespmem:s14], [sflag:$0x2] =	stream.indirect.gather [hbm4b:s3+s10], $0x40, s22, s10, $0xb8;
	[tilespmem:$0x17400] =	vst v63  }
0x61: {  	s22 =	sadd.s32 $0x68, s22  }
0x62: {  	[tilespmem:s15], [sflag:$0x2] =	stream.indirect.gather [hbm4b:s3+s10], $0x40, s22, s10, $0xb8;
	[tilespmem:$0x17400] =	vst v63  }
0x63: {  	_ =	swait.ge [sflag:s16], $0x1900  }
0x64: {  	[sflag:s16] =	ssyncset.done $0x0  }
0x65: {  	[sflag:s16] =	ssyncadd.s32 $0xFFFFE700  }
0x66: {  	_ =	swait.ge [sflag:s16], $0x1900  }
0x67: {  	[sflag:s16] =	ssyncset.done $0x0  }
0x68: {  	s23 =	simm.s32 $0x0;
	[sflag:s16] =	ssyncadd.s32 $0xFFFFE700  }
0x69: {  	v1 =	vld [tilespmem:s23+$0xD030]  }
0x6a: {  	v2 =	vld [tilespmem:s23+$0xD000]  }
0x6b: {  	v0 =	vimm.f32 $0.0e+00;
	v3 =	vld [tilespmem:s23+$0xD010]  }
0x6c: {  	v5 =	vimm.f32 $0.0e+00;
	v6 =	vimm.f32 $0.0e+00;
	v7 =	vimm.f32 $0.0e+00;
	s22 =	simm.s32 $0x100;
	v4 =	vld [tilespmem:s23+$0xD020]  }
.LBB2_9:
0x6d: {  	p0 =	sne.s32 s22, $0xC700  }
.Ltmp3:
0x6e: {  	s23 =	sshra.s32 s22, $0x2;
	s22 =	sadd.s32 $0x100, s22;
	v0 =	vadd.f32 v1, v0;
	(pc) =	sbr.rel @p0 .LBB2_9-.Ltmp3, $4  }
0x6f: {  	v1 =	vld [tilespmem:s23+$0xD030];
	v5 =	vadd.f32 v2, v5  }
0x70: {  	v2 =	vld [tilespmem:s23+$0xD000];
	v6 =	vadd.f32 v3, v6  }
0x71: {  	v3 =	vld [tilespmem:s23+$0xD010];
	v7 =	vadd.f32 v4, v7  }
0x72: {  	v4 =	vld [tilespmem:s23+$0xD020]  }
0x73: {  	_ = 	snop  }
0x74: {  	v0 =	vadd.f32 v1, v0  }
0x75: {  	v2 =	vadd.f32 v2, v5  }
0x76: {  	s22 =	sshll.u32 s20, $0x7;
	v3 =	vadd.f32 v3, v6;
	v0 =	vmul.f32 $4.999999890e-03, v0  }
0x77: {  	p0 =	seq.s32 s20, $0x7F;
	s22 =	sand.u32 $0x3FFFFF80, s22;
	v4 =	vadd.f32 v4, v7;
	v2 =	vmul.f32 $4.999999890e-03, v2  }
0x78: {  	s23 =	smul.u32 @!p0 $0x680, s20;
	v1 =	vmul.f32 $4.999999890e-03, v3;
	[tilespmem:s22+$0x13430] =	vst v0  }
0x79: {  	[tilespmem:s22+$0x13400] =	vst v2;
	v2 =	vmul.f32 $4.999999890e-03, v4  }
0x7a: {  	s23 =	sshra.s32 @!p0 s23, $0x2;
	[tilespmem:s22+$0x13410] =	vst v1  }
0x7b: {  	s24 =	simm.s32 @!p0 $0x64;
	s25 =	simm.s32 @!p0 $0xD000;
	[tilespmem:s22+$0x13420] =	vst v2;
	s22 =	sadd.s32 @!p0 $0x1A0, s23  }
0x7c: {  	[tilespmem:s25], [sflag:$0x1] =	stream.indirect.gather @!p0 [hbm4b:s3+s24], $0x40, s22, s24, $0xb8;
	[tilespmem:$0x17400] =	vst v63  }
0x7d: {  	s22 =	sadd.s32 @!p0 $0x208, s23;
	s23 =	simm.s32 @!p0 $0xE900  }
0x7e: {  	[tilespmem:s23], [sflag:$0x1] =	stream.indirect.gather @!p0 [hbm4b:s3+s24], $0x40, s22, s24, $0xb8;
	[tilespmem:$0x17400] =	vst v63  }
0x7f: {  	_ =	swait.ge [sflag:s17], $0x1900  }
0x80: {  	[sflag:s17] =	ssyncset.done $0x0  }
0x81: {  	[sflag:s17] =	ssyncadd.s32 $0xFFFFE700  }
0x82: {  	_ =	swait.ge [sflag:s17], $0x1900  }
0x83: {  	[sflag:s17] =	ssyncset.done $0x0  }
0x84: {  	s31 =	simm.s32 $0x0;
	[sflag:s17] =	ssyncadd.s32 $0xFFFFE700  }
0x85: {  	v1 =	vld [tilespmem:s31+$0x10230]  }
0x86: {  	v2 =	vld [tilespmem:s31+$0x10200]  }
0x87: {  	v5 =	vimm.f32 $0.0e+00;
	v3 =	vld [tilespmem:s31+$0x10210]  }
0x88: {  	v6 =	vimm.f32 $0.0e+00;
	v7 =	vimm.f32 $0.0e+00;
	v0 =	vimm.f32 $0.0e+00;
	s22 =	simm.s32 $0x100;
	v4 =	vld [tilespmem:s31+$0x10220]  }
.LBB2_11:
0x89: {  	p0 =	sne.s32 s22, $0xC700  }
.Ltmp4:
0x8a: {  	s23 =	sshra.s32 s22, $0x2;
	s22 =	sadd.s32 $0x100, s22;
	v0 =	vadd.f32 v1, v0;
	(pc) =	sbr.rel @p0 .LBB2_11-.Ltmp4, $4  }
0x8b: {  	v1 =	vld [tilespmem:s23+$0x10230];
	v5 =	vadd.f32 v2, v5  }
0x8c: {  	v2 =	vld [tilespmem:s23+$0x10200];
	v6 =	vadd.f32 v3, v6  }
0x8d: {  	v3 =	vld [tilespmem:s23+$0x10210];
	v7 =	vadd.f32 v4, v7  }
0x8e: {  	v4 =	vld [tilespmem:s23+$0x10220]  }
0x8f: {  	_ = 	snop  }
0x90: {  	v0 =	vadd.f32 v1, v0  }
0x91: {  	s20 =	sadd.s32 $0x1, s20;
	v2 =	vadd.f32 v2, v5  }
0x92: {  	s21 =	sshll.u32 s21, $0x6;
	p0 =	sne.s32 s20, $0x80;
	v3 =	vadd.f32 v3, v6;
	v0 =	vmul.f32 $4.999999890e-03, v0  }
.Ltmp5:
0x93: {  	s21 =	sand.u32 $0x3FFFFFC0, s21;
	v4 =	vadd.f32 v4, v7;
	v2 =	vmul.f32 $4.999999890e-03, v2;
	(pc) =	sbr.rel @p0 .LBB2_8-.Ltmp5, $4  }
0x94: {  	v62 =	vmul.f32 $4.999999890e-03, v3;
	[tilespmem:s21+$0x13430] =	vst v0  }
0x95: {  	[tilespmem:s21+$0x13400] =	vst v2;
	v63 =	vmul.f32 $4.999999890e-03, v4  }
0x96: {  	[tilespmem:s21+$0x13410] =	vst v62  }
0x97: {  	[tilespmem:s21+$0x13420] =	vst v63  }
0x98: {  	s19 =	sadd.s32 $0x1, s19  }
0x99: {  	p0 =	sne.s32 s19, s8  }
.Ltmp6:
0x9a: {  	_ = 	snop;
	(pc) =	sbr.rel @p0 .LBB2_1-.Ltmp6, $4  }
0x9b: {  	[hbm4b:s7+s2] =	stream.linear.scatter [tilespmem:s18], [sflag:$0x3], $0x4000, $0x38;
	[tilespmem:$0x17400] =	vst v63  }
0x9c: {  	_ =	swait.ge [sflag:s9], $0x4000  }
0x9d: {  	[sflag:s9] =	ssyncset.done $0x0  }
0x9e: {  	[sflag:s9] =	ssyncadd.s32 $0xFFFFC000  }
0x9f: {  	_ =	sfence.sel $0x180000  }
0xa0: {  	[bflag:$0x0] =	sbarrier.arrive $0xFFFF  }
0xa1: {  	p0 =	sne.s32 s1, $0x0;
	_ =	strace $0x90000047  }
0xa2: {  	s0 =	sadd.s32 @!p0 $0x100000, s0;
	[bflag:$0x2] =	sbarrier.arrive $0xFFFF  }
0xa3: {  	[sflag:s0] =	ssyncadd.tile.s32 @!p0 $0x1;
	_ =	shalt  }
.Lfunc_end2:
_tile_overlayer_lowered:
.L_overlay_start_2:
0xa4: {  	(tag) =	ssettag $0x2  }
0xa5: {  	s0 =	rddreg [dreg:$0x0];
	s2 =	stileid.u32  }
0xa6: {  	s1 =	rddreg [dreg:$0x1];
	p0 =	sne.s32 s2, $0x0  }
0xa7: {  	s3 =	rddreg [dreg:$0x2];
	[bflag:$0x3] =	sbarrier.arrive $0xFFFF;
	s2 =	simm.s32 @!p0 $0x1C03  }
0xa8: {  	[timem:s3], [sflag:s2] =	dma.local @!p0 [hbm:s0], s1  }
0xa9: {  	s0 =	simm.s32 @!p0 $0x3  }
0xaa: {  	_ =	swait.ge @!p0 [sflag:s0], s1  }
0xab: {  	s1 =	ssub.s32 @!p0 $0x0, s1;
	[sflag:s0] =	ssyncset.done @!p0 $0x0  }
0xac: {  	[sflag:s0] =	ssyncadd.s32 @!p0 s1  }
0xad: {  	[bflag:$0x3] =	sbarrier.arrive $0xFFFF  }
0xae: {  	_ =	shalt  }

</sc_bundles>
